<compile_context>
chip_gen: v7x
topology: tpu7x:2x2x1
jax: 0.10.2.dev20260603
libtpu: 0.0.44.dev20260713+nightly
codegen_flags: <defaults>
</compile_context>

<pallas_src>
import functools

import jax
import jax.numpy as jnp
from jax import lax
from jax.experimental import pallas as pl
from jax.experimental.pallas import tpu as pltpu
from jax.experimental.pallas import tpu_sc as plsc

C = 125
NS = 16
NC = 2
_PREC = jax.lax.Precision.HIGHEST


def _sc_agg_body(shared_dst, NP, n_blocks, idxb, rows_out, table, srccat,
                 dstcat, zrows, out_agg, acc_sh, srcv, dstv, rows_a, rows_b,
                 sem_ga, sem_gb, sem_sa, sem_sb):
    c = lax.axis_index("c")
    s = lax.axis_index("s")

    stripe = pl.ds(s * rows_out, rows_out)
    pltpu.sync_copy(zrows, acc_sh.at[stripe])
    plsc.subcore_barrier()

    for b in range(n_blocks):
        pltpu.sync_copy(srccat.at[c, s, b], srcv)
        if shared_dst:
            pltpu.sync_copy(dstcat.at[s, b], dstv)
        else:
            pltpu.sync_copy(dstcat.at[c, s, b], dstv)

        pltpu.async_copy(table.at[srcv.at[0]], rows_a, sem_ga)
        pltpu.async_copy(table.at[srcv.at[1]], rows_b, sem_gb)

        def body(i, carry):
            ja = 2 * i
            jb = 2 * i + 1
            pltpu.make_async_copy(table.at[srcv.at[ja]], rows_a,
                                  sem_ga).wait()
            pltpu.async_copy(rows_a, acc_sh.at[dstv.at[ja]], sem_sa,
                             add=True)
            pltpu.make_async_copy(table.at[srcv.at[jb]], rows_b,
                                  sem_gb).wait()
            pltpu.async_copy(rows_b, acc_sh.at[dstv.at[jb]], sem_sb,
                             add=True)

            @pl.when(ja + 2 < idxb)
            def _():
                pltpu.make_async_copy(rows_a, acc_sh.at[dstv.at[ja]],
                                      sem_sa).wait()
                pltpu.async_copy(table.at[srcv.at[ja + 2]], rows_a, sem_ga)

            @pl.when(jb + 2 < idxb)
            def _():
                pltpu.make_async_copy(rows_b, acc_sh.at[dstv.at[jb]],
                                      sem_sb).wait()
                pltpu.async_copy(table.at[srcv.at[jb + 2]], rows_b, sem_gb)

            return carry

        lax.fori_loop(0, idxb // 2, body, 0)
        if idxb % 2:
            pltpu.make_async_copy(table.at[srcv.at[idxb - 1]], rows_a,
                                  sem_ga).wait()
            pltpu.async_copy(rows_a, acc_sh.at[dstv.at[idxb - 1]], sem_sa,
                             add=True)
            pltpu.make_async_copy(rows_b, acc_sh.at[dstv.at[idxb - 2]],
                                  sem_sb).wait()
            pltpu.make_async_copy(rows_a, acc_sh.at[dstv.at[idxb - 1]],
                                  sem_sa).wait()
        else:
            nlast = idxb - 2
            pltpu.make_async_copy(rows_a, acc_sh.at[dstv.at[nlast]],
                                  sem_sa).wait()
            pltpu.make_async_copy(rows_b, acc_sh.at[dstv.at[nlast + 1]],
                                  sem_sb).wait()
    plsc.subcore_barrier()

    pltpu.sync_copy(acc_sh.at[stripe], out_agg.at[c, stripe])


@functools.partial(jax.jit, static_argnums=(0,))
def _sc_aggregate(shared_dst, table, srccat, dstcat, zrows):
    n_blocks, idxb = srccat.shape[2], srccat.shape[3]
    rows_out = zrows.shape[0]
    NP = rows_out * NS

    scratch = (
        pltpu.VMEM_SHARED((NP, 128), jnp.float32),
        pltpu.VMEM((idxb, C), jnp.int32),
        pltpu.VMEM((idxb, C), jnp.int32),
        pltpu.VMEM((C, 128), jnp.float32),
        pltpu.VMEM((C, 128), jnp.float32),
        pltpu.SemaphoreType.DMA,
        pltpu.SemaphoreType.DMA,
        pltpu.SemaphoreType.DMA,
        pltpu.SemaphoreType.DMA,
    )
    mesh = plsc.VectorSubcoreMesh(core_axis_name="c", subcore_axis_name="s")
    body = functools.partial(_sc_agg_body, shared_dst, NP, n_blocks, idxb,
                             rows_out)
    fn = pl.kernel(body,
                   out_type=jax.ShapeDtypeStruct((NC, NP, 128), jnp.float32),
                   mesh=mesh, scratch_types=scratch)
    return fn(table, srccat, dstcat, zrows)


def _sc_deg_body(NP, n_blocks, idxb, rows_out, dstcat, zrows, ones_in,
                 out_deg, deg_sh, dstv, ones_v):
    c = lax.axis_index("c")
    s = lax.axis_index("s")

    stripe = pl.ds(s * rows_out, rows_out)
    pltpu.sync_copy(zrows, deg_sh.at[stripe])
    pltpu.sync_copy(ones_in, ones_v)
    plsc.subcore_barrier()

    for b in range(n_blocks):
        pltpu.sync_copy(dstcat.at[c, s, b], dstv)

        def body(j, carry):
            pltpu.sync_copy(ones_v, deg_sh.at[dstv.at[j]], add=True)
            return carry

        lax.fori_loop(0, idxb, body, 0)
    plsc.subcore_barrier()
    pltpu.sync_copy(deg_sh.at[stripe], out_deg.at[c, stripe])


@jax.jit
def _sc_degree(dstcat, zrows, ones_in):
    n_blocks, idxb = dstcat.shape[2], dstcat.shape[3]
    rows_out = zrows.shape[0]
    NP = rows_out * NS

    scratch = (
        pltpu.VMEM_SHARED((NP, 128), jnp.float32),
        pltpu.VMEM((idxb, C), jnp.int32),
        pltpu.VMEM((C, 128), jnp.float32),
    )
    mesh = plsc.VectorSubcoreMesh(core_axis_name="c", subcore_axis_name="s")
    body = functools.partial(_sc_deg_body, NP, n_blocks, idxb, rows_out)
    fn = pl.kernel(body,
                   out_type=jax.ShapeDtypeStruct((NC, NP, 128), jnp.float32),
                   mesh=mesh, scratch_types=scratch)
    return fn(dstcat, zrows, ones_in)


def _dot(a, b):
    return jnp.dot(a, b, preferred_element_type=jnp.float32, precision=_PREC)


def _tc1_body(agg_ref, degp_ref, x_ref, w1l_ref, w1r_ref, b1_ref, out_ref):
    deg = degp_ref[0, :, 0:1] + degp_ref[1, :, 0:1]
    inv = 1.0 / jnp.maximum(deg, 1.0)
    t = _dot(agg_ref[0] + agg_ref[1], w1l_ref[...])
    t = t * inv + b1_ref[...] + _dot(x_ref[...], w1r_ref[...])
    h = jnp.maximum(t, 0.0)
    out_ref[0] = h[:, :128]
    out_ref[1] = h[:, 128:]


def _tc2_body(agg_ref, degp_ref, h_ref, wll_ref, wlh_ref, wrl_ref, wrh_ref,
              b2_ref, wc_ref, bc_ref, out_ref):
    deg = degp_ref[0, :, 0:1] + degp_ref[1, :, 0:1]
    inv = 1.0 / jnp.maximum(deg, 1.0)
    t = _dot(agg_ref[0], wll_ref[...]) + _dot(agg_ref[1], wlh_ref[...])
    t = t * inv + b2_ref[...] + _dot(h_ref[0], wrl_ref[...]) \
        + _dot(h_ref[1], wrh_ref[...])
    h2 = jnp.maximum(t, 0.0)
    out_ref[...] = jnp.sum(h2 * wc_ref[...], axis=1, keepdims=True) \
        + bc_ref[...]


def _tc_layer1(agg1, degp, x, w1l, w1r, b1r, block):
    n = x.shape[0]
    grid = (n // block,)
    full = lambda i: (0, 0)
    return pl.pallas_call(
        _tc1_body,
        grid=grid,
        in_specs=[
            pl.BlockSpec((NC, block, 128), lambda i: (0, i, 0)),
            pl.BlockSpec((NC, block, 8), lambda i: (0, i, 0)),
            pl.BlockSpec((block, 128), lambda i: (i, 0)),
            pl.BlockSpec((128, 256), full),
            pl.BlockSpec((128, 256), full),
            pl.BlockSpec((1, 256), full),
        ],
        out_specs=pl.BlockSpec((NC, block, 128), lambda i: (0, i, 0)),
        out_shape=jax.ShapeDtypeStruct((NC, n, 128), jnp.float32),
    )(agg1, degp, x, w1l, w1r, b1r)


def _tc_layer2(agg2, degp, hcat, wll, wlh, wrl, wrh, b2r, wcr, bcr, block):
    n = hcat.shape[1]
    grid = (n // block,)
    full = lambda i: (0, 0)
    return pl.pallas_call(
        _tc2_body,
        grid=grid,
        in_specs=[
            pl.BlockSpec((NC, block, 128), lambda i: (0, i, 0)),
            pl.BlockSpec((NC, block, 8), lambda i: (0, i, 0)),
            pl.BlockSpec((NC, block, 128), lambda i: (0, i, 0)),
            pl.BlockSpec((128, 256), full),
            pl.BlockSpec((128, 256), full),
            pl.BlockSpec((128, 256), full),
            pl.BlockSpec((128, 256), full),
            pl.BlockSpec((1, 256), full),
            pl.BlockSpec((1, 256), full),
            pl.BlockSpec((1, 1), full),
        ],
        out_specs=pl.BlockSpec((block, 1), lambda i: (i, 0)),
        out_shape=jax.ShapeDtypeStruct((n, 1), jnp.float32),
    )(agg2, degp, hcat, wll, wlh, wrl, wrh, b2r, wcr, bcr)


def kernel(x, edge_index, W1_l, W1_r, b1, W2_l, W2_r, b2, Wc, bc):
    N, D = x.shape
    E = edge_index.shape[1]

    src = edge_index[0]
    dst = edge_index[1]
    IDXB = 16
    nb1 = E // C // (NC * NS) // IDXB
    src1 = src.reshape(NC, NS, nb1, IDXB, C)
    dst1 = dst.reshape(NC, NS, nb1, IDXB, C)
    nb2 = E // C // NS // IDXB
    src2r = src.reshape(NS, nb2, IDXB, C)
    src2 = jnp.stack([src2r, src2r + N])
    dst2 = dst.reshape(NS, nb2, IDXB, C)

    NP = ((N + 8 * NS - 1) // (8 * NS)) * (8 * NS)
    rows_out = NP // NS
    z0 = jnp.zeros((rows_out, 128), jnp.float32)
    ones_in = jnp.ones((C, 128), jnp.float32)

    degp = _sc_degree(dst1, z0, ones_in)
    z128 = 0.0 * degp[0, :rows_out]
    degp8 = degp[:, :N, :8]

    agg1 = _sc_aggregate(False, x, src1, dst1, z128)

    hcat = _tc_layer1(agg1, degp8, x, W1_l, W1_r, b1.reshape(1, -1),
                      block=1000)

    h2 = hcat.reshape(2 * N, 128)
    agg2 = _sc_aggregate(True, h2, src2, dst2, z128)

    out = _tc_layer2(agg2, degp8, hcat,
                     W2_l[:128], W2_l[128:], W2_r[:128], W2_r[128:],
                     b2.reshape(1, -1), Wc.reshape(1, -1),
                     bc.reshape(1, 1), block=1000)
    return out.reshape(N)

# --- scband reference (transcript-rebuilt; emitter-appended) ---
"""Pipeline reference for scband-graph-fcbaseline-76312978915559 (READ-ONLY COPY).

The authoritative reference and input builder live on the scoring server;
editing this copy changes nothing except your own understanding.
"""

import jax, jax.numpy as jnp
import numpy as np

N_NODES = 10000
N_EDGES = 320000
D_FEAT = 128
HIDDEN = 256


def setup_inputs(seed: int = 0) -> dict:
    key = jax.random.key(seed)
    ks = jax.random.split(key, 12)
    x = jax.random.normal(ks[0], (N_NODES, D_FEAT), dtype=jnp.float32)
    edge_index = jax.random.randint(ks[1], (2, N_EDGES), 0, N_NODES, dtype=jnp.int32)
    # SAGEConv layer 1: lin_l (aggregated neighbors) and lin_r (self), bias on lin_l
    s1 = 1.0 / np.sqrt(D_FEAT)
    W1_l = jax.random.uniform(ks[2], (D_FEAT, HIDDEN), jnp.float32, -s1, s1)
    W1_r = jax.random.uniform(ks[3], (D_FEAT, HIDDEN), jnp.float32, -s1, s1)
    b1 = jnp.zeros((HIDDEN,), jnp.float32)
    # SAGEConv layer 2
    s2 = 1.0 / np.sqrt(HIDDEN)
    W2_l = jax.random.uniform(ks[4], (HIDDEN, HIDDEN), jnp.float32, -s2, s2)
    W2_r = jax.random.uniform(ks[5], (HIDDEN, HIDDEN), jnp.float32, -s2, s2)
    b2 = jnp.zeros((HIDDEN,), jnp.float32)
    # classifier
    Wc = jax.random.uniform(ks[6], (HIDDEN, 1), jnp.float32, -s2, s2)
    bc = jnp.zeros((1,), jnp.float32)
    return {"x": x, "edge_index": edge_index, "W1_l": W1_l, "W1_r": W1_r, "b1": b1,
            "W2_l": W2_l, "W2_r": W2_r, "b2": b2, "Wc": Wc, "bc": bc}


def _sage_conv(x, edge_index, W_l, W_r, b):
    # GraphSAGE with mean aggregation: out = lin_l(mean_{j in N(i)} x_j) + lin_r(x_i)
    src = edge_index[0]
    dst = edge_index[1]
    msgs = jnp.take(x, src, axis=0)
    agg = jax.ops.segment_sum(msgs, dst, num_segments=N_NODES)
    deg = jax.ops.segment_sum(jnp.ones((edge_index.shape[1],), x.dtype), dst, num_segments=N_NODES)
    agg = agg / jnp.maximum(deg, 1.0)[:, None]
    return agg @ W_l + b + x @ W_r


def reference(x, edge_index, W1_l, W1_r, b1, W2_l, W2_r, b2, Wc, bc):
    # encode: two SAGE convs with relu (dropout inactive in eval mode)
    h = jax.nn.relu(_sage_conv(x, edge_index, W1_l, W1_r, b1))
    h = jax.nn.relu(_sage_conv(h, edge_index, W2_l, W2_r, b2))
    # classifier + squeeze(-1)
    out = (h @ Wc + bc).squeeze(-1)
    return out

if __name__ == "__main__":
    import jax
    _d = setup_inputs()
    print(jax.jit(kernel)(*tuple(_d.values())))

</pallas_src>

<mosaic_0001>
#map = affine_map<(d0, d1) -> (0, 0, 0, 0, 0)>
#map1 = affine_map<(d0, d1) -> (0, 0)>
#map2 = affine_map<(d0, d1) -> (0, 0, 0)>
module attributes {stable_mosaic.version = 14 : i64} {
  func.func @_sc_deg_body(%arg0: i32, %arg1: i32, %arg2: memref<2x16x5x16x125xi32, #tpu.memory_space<hbm>>, %arg3: memref<632x128xf32, #tpu.memory_space<hbm>>, %arg4: memref<125x128xf32, #tpu.memory_space<hbm>>, %arg5: memref<2x10112x128xf32, #tpu.memory_space<hbm>>, %arg6: memref<10112x128xf32, #tpu.memory_space<vmem_shared>>, %arg7: memref<16x125xi32, #tpu.memory_space<vmem>>, %arg8: memref<125x128xf32, #tpu.memory_space<vmem>>) attributes {dimension_semantics = [#tpu.dimension_semantics<core_parallel>, #tpu.dimension_semantics<subcore_parallel>], iteration_bounds = array<i64: 2, 16>, scalar_prefetch = 0 : i64, scratch_operands = 3 : i64, tpu.core_type = #tpu.core_type<sc_vector_subcore>, window_params = [{transform_indices = #map}, {transform_indices = #map1}, {transform_indices = #map1}, {transform_indices = #map2}]} {
    %mul3A = arith.constant 632 : i32
    %mul3A_0 = arith.muli %arg1, %mul3A : i32
    "tpu.region"() ({
      %run_scoped3A_35 = tpu.sem_alloc : memref<!tpu.dma_semaphore, #tpu.memory_space<semaphore_mem>>
      %dma_start3A = arith.constant 0 : i32
      %dma_start3A_36 = tpu.memref_slice %arg6[%mul3A_0, %dma_start3A] : memref<10112x128xf32, #tpu.memory_space<vmem_shared>> -> memref<632x128xf32, #tpu.memory_space<vmem_shared>>
      tpu.enqueue_dma source(%arg3 : memref<632x128xf32, #tpu.memory_space<hbm>>) target(%dma_start3A_36 : memref<632x128xf32, #tpu.memory_space<vmem_shared>>) target_semaphore(%run_scoped3A_35 : memref<!tpu.dma_semaphore, #tpu.memory_space<semaphore_mem>>)
      %dma_wait3A = arith.constant 0 : i32
      %dma_wait3A_37 = tpu.memref_slice %arg6[%mul3A_0, %dma_wait3A] : memref<10112x128xf32, #tpu.memory_space<vmem_shared>> -> memref<632x128xf32, #tpu.memory_space<vmem_shared>>
      tpu.wait_dma2 semaphore(%run_scoped3A_35 : memref<!tpu.dma_semaphore, #tpu.memory_space<semaphore_mem>>) src(%arg3 : memref<632x128xf32, #tpu.memory_space<hbm>>) dst(%dma_wait3A_37 : memref<632x128xf32, #tpu.memory_space<vmem_shared>>)
      tpu.yield
    }) : () -> ()
    "tpu.region"() ({
      %run_scoped3A_35 = tpu.sem_alloc : memref<!tpu.dma_semaphore, #tpu.memory_space<semaphore_mem>>
      tpu.enqueue_dma source(%arg4 : memref<125x128xf32, #tpu.memory_space<hbm>>) target(%arg8 : memref<125x128xf32, #tpu.memory_space<vmem>>) target_semaphore(%run_scoped3A_35 : memref<!tpu.dma_semaphore, #tpu.memory_space<semaphore_mem>>)
      tpu.wait_dma2 semaphore(%run_scoped3A_35 : memref<!tpu.dma_semaphore, #tpu.memory_space<semaphore_mem>>) src(%arg4 : memref<125x128xf32, #tpu.memory_space<hbm>>) dst(%arg8 : memref<125x128xf32, #tpu.memory_space<vmem>>)
      tpu.yield
    }) : () -> ()
    %barrier3A = arith.constant 0 : index
    tpu.barrier barrier_id(%barrier3A)
    %run_scoped3A = arith.constant 0 : i32
    "tpu.region"() ({
      %run_scoped3A_35 = tpu.sem_alloc : memref<!tpu.dma_semaphore, #tpu.memory_space<semaphore_mem>>
      %dma_start3A = arith.constant 0 : i32
      %dma_start3A_36 = arith.constant 0 : i32
      %dma_start3A_37 = tpu.memref_slice %arg2[%arg0, %arg1, %run_scoped3A, %dma_start3A, %dma_start3A_36] : memref<2x16x5x16x125xi32, #tpu.memory_space<hbm>> -> memref<1x1x1x16x125xi32, #tpu.memory_space<hbm>>
      %dma_start3A_38 = tpu.memref_squeeze %dma_start3A_37 : memref<1x1x1x16x125xi32, #tpu.memory_space<hbm>> -> memref<16x125xi32, #tpu.memory_space<hbm>>
      %dma_start3A_39 = arith.constant 0 : i32
      %dma_start3A_40 = arith.constant 0 : i32
      %dma_start3A_41 = tpu.memref_slice %arg2[%arg0, %arg1, %run_scoped3A, %dma_start3A_39, %dma_start3A_40] : memref<2x16x5x16x125xi32, #tpu.memory_space<hbm>> -> memref<1x1x1x16x125xi32, #tpu.memory_space<hbm>>
      %dma_start3A_42 = tpu.memref_squeeze %dma_start3A_41 : memref<1x1x1x16x125xi32, #tpu.memory_space<hbm>> -> memref<16x125xi32, #tpu.memory_space<hbm>>
      tpu.enqueue_dma source(%dma_start3A_42 : memref<16x125xi32, #tpu.memory_space<hbm>>) target(%arg7 : memref<16x125xi32, #tpu.memory_space<vmem>>) target_semaphore(%run_scoped3A_35 : memref<!tpu.dma_semaphore, #tpu.memory_space<semaphore_mem>>)
      %dma_wait3A = arith.constant 0 : i32
      %dma_wait3A_43 = arith.constant 0 : i32
      %dma_wait3A_44 = tpu.memref_slice %arg2[%arg0, %arg1, %run_scoped3A, %dma_wait3A, %dma_wait3A_43] : memref<2x16x5x16x125xi32, #tpu.memory_space<hbm>> -> memref<1x1x1x16x125xi32, #tpu.memory_space<hbm>>
      %dma_wait3A_45 = tpu.memref_squeeze %dma_wait3A_44 : memref<1x1x1x16x125xi32, #tpu.memory_space<hbm>> -> memref<16x125xi32, #tpu.memory_space<hbm>>
      %dma_wait3A_46 = arith.constant 0 : i32
      %dma_wait3A_47 = arith.constant 0 : i32
      %dma_wait3A_48 = tpu.memref_slice %arg2[%arg0, %arg1, %run_scoped3A, %dma_wait3A_46, %dma_wait3A_47] : memref<2x16x5x16x125xi32, #tpu.memory_space<hbm>> -> memref<1x1x1x16x125xi32, #tpu.memory_space<hbm>>
      %dma_wait3A_49 = tpu.memref_squeeze %dma_wait3A_48 : memref<1x1x1x16x125xi32, #tpu.memory_space<hbm>> -> memref<16x125xi32, #tpu.memory_space<hbm>>
      tpu.wait_dma2 semaphore(%run_scoped3A_35 : memref<!tpu.dma_semaphore, #tpu.memory_space<semaphore_mem>>) src(%dma_wait3A_49 : memref<16x125xi32, #tpu.memory_space<hbm>>) dst(%arg7 : memref<16x125xi32, #tpu.memory_space<vmem>>)
      tpu.yield
    }) : () -> ()
    %scan3A = arith.constant 0 : i32
    %scan3A_1 = arith.constant 0 : i32
    %scan3A_2 = arith.constant 16 : i32
    %scan3A_3 = arith.addi %scan3A_1, %scan3A_2 : i32
    %scan3A_4 = arith.constant 1 : i32
    scf.for %scan3A_35 = %scan3A_1 to %scan3A_3 step %scan3A_4  : i32 {
      "tpu.region"() ({
        %run_scoped3A_36 = tpu.sem_alloc : memref<!tpu.dma_semaphore, #tpu.memory_space<semaphore_mem>>
        %dma_start3A = arith.constant 0 : i32
        %dma_start3A_37 = tpu.memref_slice %arg7[%scan3A_35, %dma_start3A] : memref<16x125xi32, #tpu.memory_space<vmem>> -> memref<1x125xi32, #tpu.memory_space<vmem>>
        %dma_start3A_38 = tpu.memref_squeeze %dma_start3A_37 : memref<1x125xi32, #tpu.memory_space<vmem>> -> memref<125xi32, #tpu.memory_space<vmem>>
        %dma_start3A_39 = arith.constant 0 : i32
        %dma_start3A_40 = arith.constant 0 : i32
        %dma_start3A_41 = tpu.memref_slice %arg6[%dma_start3A_39, %dma_start3A_40] : memref<10112x128xf32, #tpu.memory_space<vmem_shared>> -> memref<10112x128xf32, #tpu.memory_space<vmem_shared>>
        tpu.enqueue_indirect_dma source(%arg8 : memref<125x128xf32, #tpu.memory_space<vmem>>) target(%dma_start3A_41 : memref<10112x128xf32, #tpu.memory_space<vmem_shared>>) offsets(%dma_start3A_38 : memref<125xi32, #tpu.memory_space<vmem>>) semaphore(%run_scoped3A_36 : memref<!tpu.dma_semaphore, #tpu.memory_space<semaphore_mem>>) {add = true}
        %dma_wait3A = arith.constant 0 : i32
        %dma_wait3A_42 = tpu.memref_slice %arg7[%scan3A_35, %dma_wait3A] : memref<16x125xi32, #tpu.memory_space<vmem>> -> memref<1x125xi32, #tpu.memory_space<vmem>>
        %dma_wait3A_43 = tpu.memref_squeeze %dma_wait3A_42 : memref<1x125xi32, #tpu.memory_space<vmem>> -> memref<125xi32, #tpu.memory_space<vmem>>
        %dma_wait3A_44 = arith.constant 0 : i32
        %dma_wait3A_45 = arith.constant 0 : i32
        %dma_wait3A_46 = tpu.memref_slice %arg6[%dma_wait3A_44, %dma_wait3A_45] : memref<10112x128xf32, #tpu.memory_space<vmem_shared>> -> memref<10112x128xf32, #tpu.memory_space<vmem_shared>>
        tpu.wait_indirect_dma semaphore(%run_scoped3A_36 : memref<!tpu.dma_semaphore, #tpu.memory_space<semaphore_mem>>) src(%arg8 : memref<125x128xf32, #tpu.memory_space<vmem>>) dst(%dma_wait3A_46 : memref<10112x128xf32, #tpu.memory_space<vmem_shared>>)
        tpu.yield
      }) : () -> ()
    }
    %scan3A_5 = arith.constant 16 : i32
    %run_scoped3A_6 = arith.constant 1 : i32
    "tpu.region"() ({
      %run_scoped3A_35 = tpu.sem_alloc : memref<!tpu.dma_semaphore, #tpu.memory_space<semaphore_mem>>
      %dma_start3A = arith.constant 0 : i32
      %dma_start3A_36 = arith.constant 0 : i32
      %dma_start3A_37 = tpu.memref_slice %arg2[%arg0, %arg1, %run_scoped3A_6, %dma_start3A, %dma_start3A_36] : memref<2x16x5x16x125xi32, #tpu.memory_space<hbm>> -> memref<1x1x1x16x125xi32, #tpu.memory_space<hbm>>
      %dma_start3A_38 = tpu.memref_squeeze %dma_start3A_37 : memref<1x1x1x16x125xi32, #tpu.memory_space<hbm>> -> memref<16x125xi32, #tpu.memory_space<hbm>>
      %dma_start3A_39 = arith.constant 0 : i32
      %dma_start3A_40 = arith.constant 0 : i32
      %dma_start3A_41 = tpu.memref_slice %arg2[%arg0, %arg1, %run_scoped3A_6, %dma_start3A_39, %dma_start3A_40] : memref<2x16x5x16x125xi32, #tpu.memory_space<hbm>> -> memref<1x1x1x16x125xi32, #tpu.memory_space<hbm>>
      %dma_start3A_42 = tpu.memref_squeeze %dma_start3A_41 : memref<1x1x1x16x125xi32, #tpu.memory_space<hbm>> -> memref<16x125xi32, #tpu.memory_space<hbm>>
      tpu.enqueue_dma source(%dma_start3A_42 : memref<16x125xi32, #tpu.memory_space<hbm>>) target(%arg7 : memref<16x125xi32, #tpu.memory_space<vmem>>) target_semaphore(%run_scoped3A_35 : memref<!tpu.dma_semaphore, #tpu.memory_space<semaphore_mem>>)
      %dma_wait3A = arith.constant 0 : i32
      %dma_wait3A_43 = arith.constant 0 : i32
      %dma_wait3A_44 = tpu.memref_slice %arg2[%arg0, %arg1, %run_scoped3A_6, %dma_wait3A, %dma_wait3A_43] : memref<2x16x5x16x125xi32, #tpu.memory_space<hbm>> -> memref<1x1x1x16x125xi32, #tpu.memory_space<hbm>>
      %dma_wait3A_45 = tpu.memref_squeeze %dma_wait3A_44 : memref<1x1x1x16x125xi32, #tpu.memory_space<hbm>> -> memref<16x125xi32, #tpu.memory_space<hbm>>
      %dma_wait3A_46 = arith.constant 0 : i32
      %dma_wait3A_47 = arith.constant 0 : i32
      %dma_wait3A_48 = tpu.memref_slice %arg2[%arg0, %arg1, %run_scoped3A_6, %dma_wait3A_46, %dma_wait3A_47] : memref<2x16x5x16x125xi32, #tpu.memory_space<hbm>> -> memref<1x1x1x16x125xi32, #tpu.memory_space<hbm>>
      %dma_wait3A_49 = tpu.memref_squeeze %dma_wait3A_48 : memref<1x1x1x16x125xi32, #tpu.memory_space<hbm>> -> memref<16x125xi32, #tpu.memory_space<hbm>>
      tpu.wait_dma2 semaphore(%run_scoped3A_35 : memref<!tpu.dma_semaphore, #tpu.memory_space<semaphore_mem>>) src(%dma_wait3A_49 : memref<16x125xi32, #tpu.memory_space<hbm>>) dst(%arg7 : memref<16x125xi32, #tpu.memory_space<vmem>>)
      tpu.yield
    }) : () -> ()
    %scan3A_7 = arith.constant 0 : i32
    %scan3A_8 = arith.constant 0 : i32
    %scan3A_9 = arith.constant 16 : i32
    %scan3A_10 = arith.addi %scan3A_8, %scan3A_9 : i32
    %scan3A_11 = arith.constant 1 : i32
    scf.for %scan3A_35 = %scan3A_8 to %scan3A_10 step %scan3A_11  : i32 {
      "tpu.region"() ({
        %run_scoped3A_36 = tpu.sem_alloc : memref<!tpu.dma_semaphore, #tpu.memory_space<semaphore_mem>>
        %dma_start3A = arith.constant 0 : i32
        %dma_start3A_37 = tpu.memref_slice %arg7[%scan3A_35, %dma_start3A] : memref<16x125xi32, #tpu.memory_space<vmem>> -> memref<1x125xi32, #tpu.memory_space<vmem>>
        %dma_start3A_38 = tpu.memref_squeeze %dma_start3A_37 : memref<1x125xi32, #tpu.memory_space<vmem>> -> memref<125xi32, #tpu.memory_space<vmem>>
        %dma_start3A_39 = arith.constant 0 : i32
        %dma_start3A_40 = arith.constant 0 : i32
        %dma_start3A_41 = tpu.memref_slice %arg6[%dma_start3A_39, %dma_start3A_40] : memref<10112x128xf32, #tpu.memory_space<vmem_shared>> -> memref<10112x128xf32, #tpu.memory_space<vmem_shared>>
        tpu.enqueue_indirect_dma source(%arg8 : memref<125x128xf32, #tpu.memory_space<vmem>>) target(%dma_start3A_41 : memref<10112x128xf32, #tpu.memory_space<vmem_shared>>) offsets(%dma_start3A_38 : memref<125xi32, #tpu.memory_space<vmem>>) semaphore(%run_scoped3A_36 : memref<!tpu.dma_semaphore, #tpu.memory_space<semaphore_mem>>) {add = true}
        %dma_wait3A = arith.constant 0 : i32
        %dma_wait3A_42 = tpu.memref_slice %arg7[%scan3A_35, %dma_wait3A] : memref<16x125xi32, #tpu.memory_space<vmem>> -> memref<1x125xi32, #tpu.memory_space<vmem>>
        %dma_wait3A_43 = tpu.memref_squeeze %dma_wait3A_42 : memref<1x125xi32, #tpu.memory_space<vmem>> -> memref<125xi32, #tpu.memory_space<vmem>>
        %dma_wait3A_44 = arith.constant 0 : i32
        %dma_wait3A_45 = arith.constant 0 : i32
        %dma_wait3A_46 = tpu.memref_slice %arg6[%dma_wait3A_44, %dma_wait3A_45] : memref<10112x128xf32, #tpu.memory_space<vmem_shared>> -> memref<10112x128xf32, #tpu.memory_space<vmem_shared>>
        tpu.wait_indirect_dma semaphore(%run_scoped3A_36 : memref<!tpu.dma_semaphore, #tpu.memory_space<semaphore_mem>>) src(%arg8 : memref<125x128xf32, #tpu.memory_space<vmem>>) dst(%dma_wait3A_46 : memref<10112x128xf32, #tpu.memory_space<vmem_shared>>)
        tpu.yield
      }) : () -> ()
    }
    %scan3A_12 = arith.constant 16 : i32
    %run_scoped3A_13 = arith.constant 2 : i32
    "tpu.region"() ({
      %run_scoped3A_35 = tpu.sem_alloc : memref<!tpu.dma_semaphore, #tpu.memory_space<semaphore_mem>>
      %dma_start3A = arith.constant 0 : i32
      %dma_start3A_36 = arith.constant 0 : i32
      %dma_start3A_37 = tpu.memref_slice %arg2[%arg0, %arg1, %run_scoped3A_13, %dma_start3A, %dma_start3A_36] : memref<2x16x5x16x125xi32, #tpu.memory_space<hbm>> -> memref<1x1x1x16x125xi32, #tpu.memory_space<hbm>>
      %dma_start3A_38 = tpu.memref_squeeze %dma_start3A_37 : memref<1x1x1x16x125xi32, #tpu.memory_space<hbm>> -> memref<16x125xi32, #tpu.memory_space<hbm>>
      %dma_start3A_39 = arith.constant 0 : i32
      %dma_start3A_40 = arith.constant 0 : i32
      %dma_start3A_41 = tpu.memref_slice %arg2[%arg0, %arg1, %run_scoped3A_13, %dma_start3A_39, %dma_start3A_40] : memref<2x16x5x16x125xi32, #tpu.memory_space<hbm>> -> memref<1x1x1x16x125xi32, #tpu.memory_space<hbm>>
      %dma_start3A_42 = tpu.memref_squeeze %dma_start3A_41 : memref<1x1x1x16x125xi32, #tpu.memory_space<hbm>> -> memref<16x125xi32, #tpu.memory_space<hbm>>
      tpu.enqueue_dma source(%dma_start3A_42 : memref<16x125xi32, #tpu.memory_space<hbm>>) target(%arg7 : memref<16x125xi32, #tpu.memory_space<vmem>>) target_semaphore(%run_scoped3A_35 : memref<!tpu.dma_semaphore, #tpu.memory_space<semaphore_mem>>)
      %dma_wait3A = arith.constant 0 : i32
      %dma_wait3A_43 = arith.constant 0 : i32
      %dma_wait3A_44 = tpu.memref_slice %arg2[%arg0, %arg1, %run_scoped3A_13, %dma_wait3A, %dma_wait3A_43] : memref<2x16x5x16x125xi32, #tpu.memory_space<hbm>> -> memref<1x1x1x16x125xi32, #tpu.memory_space<hbm>>
      %dma_wait3A_45 = tpu.memref_squeeze %dma_wait3A_44 : memref<1x1x1x16x125xi32, #tpu.memory_space<hbm>> -> memref<16x125xi32, #tpu.memory_space<hbm>>
      %dma_wait3A_46 = arith.constant 0 : i32
      %dma_wait3A_47 = arith.constant 0 : i32
      %dma_wait3A_48 = tpu.memref_slice %arg2[%arg0, %arg1, %run_scoped3A_13, %dma_wait3A_46, %dma_wait3A_47] : memref<2x16x5x16x125xi32, #tpu.memory_space<hbm>> -> memref<1x1x1x16x125xi32, #tpu.memory_space<hbm>>
      %dma_wait3A_49 = tpu.memref_squeeze %dma_wait3A_48 : memref<1x1x1x16x125xi32, #tpu.memory_space<hbm>> -> memref<16x125xi32, #tpu.memory_space<hbm>>
      tpu.wait_dma2 semaphore(%run_scoped3A_35 : memref<!tpu.dma_semaphore, #tpu.memory_space<semaphore_mem>>) src(%dma_wait3A_49 : memref<16x125xi32, #tpu.memory_space<hbm>>) dst(%arg7 : memref<16x125xi32, #tpu.memory_space<vmem>>)
      tpu.yield
    }) : () -> ()
    %scan3A_14 = arith.constant 0 : i32
    %scan3A_15 = arith.constant 0 : i32
    %scan3A_16 = arith.constant 16 : i32
    %scan3A_17 = arith.addi %scan3A_15, %scan3A_16 : i32
    %scan3A_18 = arith.constant 1 : i32
    scf.for %scan3A_35 = %scan3A_15 to %scan3A_17 step %scan3A_18  : i32 {
      "tpu.region"() ({
        %run_scoped3A_36 = tpu.sem_alloc : memref<!tpu.dma_semaphore, #tpu.memory_space<semaphore_mem>>
        %dma_start3A = arith.constant 0 : i32
        %dma_start3A_37 = tpu.memref_slice %arg7[%scan3A_35, %dma_start3A] : memref<16x125xi32, #tpu.memory_space<vmem>> -> memref<1x125xi32, #tpu.memory_space<vmem>>
        %dma_start3A_38 = tpu.memref_squeeze %dma_start3A_37 : memref<1x125xi32, #tpu.memory_space<vmem>> -> memref<125xi32, #tpu.memory_space<vmem>>
        %dma_start3A_39 = arith.constant 0 : i32
        %dma_start3A_40 = arith.constant 0 : i32
        %dma_start3A_41 = tpu.memref_slice %arg6[%dma_start3A_39, %dma_start3A_40] : memref<10112x128xf32, #tpu.memory_space<vmem_shared>> -> memref<10112x128xf32, #tpu.memory_space<vmem_shared>>
        tpu.enqueue_indirect_dma source(%arg8 : memref<125x128xf32, #tpu.memory_space<vmem>>) target(%dma_start3A_41 : memref<10112x128xf32, #tpu.memory_space<vmem_shared>>) offsets(%dma_start3A_38 : memref<125xi32, #tpu.memory_space<vmem>>) semaphore(%run_scoped3A_36 : memref<!tpu.dma_semaphore, #tpu.memory_space<semaphore_mem>>) {add = true}
        %dma_wait3A = arith.constant 0 : i32
        %dma_wait3A_42 = tpu.memref_slice %arg7[%scan3A_35, %dma_wait3A] : memref<16x125xi32, #tpu.memory_space<vmem>> -> memref<1x125xi32, #tpu.memory_space<vmem>>
        %dma_wait3A_43 = tpu.memref_squeeze %dma_wait3A_42 : memref<1x125xi32, #tpu.memory_space<vmem>> -> memref<125xi32, #tpu.memory_space<vmem>>
        %dma_wait3A_44 = arith.constant 0 : i32
        %dma_wait3A_45 = arith.constant 0 : i32
        %dma_wait3A_46 = tpu.memref_slice %arg6[%dma_wait3A_44, %dma_wait3A_45] : memref<10112x128xf32, #tpu.memory_space<vmem_shared>> -> memref<10112x128xf32, #tpu.memory_space<vmem_shared>>
        tpu.wait_indirect_dma semaphore(%run_scoped3A_36 : memref<!tpu.dma_semaphore, #tpu.memory_space<semaphore_mem>>) src(%arg8 : memref<125x128xf32, #tpu.memory_space<vmem>>) dst(%dma_wait3A_46 : memref<10112x128xf32, #tpu.memory_space<vmem_shared>>)
        tpu.yield
      }) : () -> ()
    }
    %scan3A_19 = arith.constant 16 : i32
    %run_scoped3A_20 = arith.constant 3 : i32
    "tpu.region"() ({
      %run_scoped3A_35 = tpu.sem_alloc : memref<!tpu.dma_semaphore, #tpu.memory_space<semaphore_mem>>
      %dma_start3A = arith.constant 0 : i32
      %dma_start3A_36 = arith.constant 0 : i32
      %dma_start3A_37 = tpu.memref_slice %arg2[%arg0, %arg1, %run_scoped3A_20, %dma_start3A, %dma_start3A_36] : memref<2x16x5x16x125xi32, #tpu.memory_space<hbm>> -> memref<1x1x1x16x125xi32, #tpu.memory_space<hbm>>
      %dma_start3A_38 = tpu.memref_squeeze %dma_start3A_37 : memref<1x1x1x16x125xi32, #tpu.memory_space<hbm>> -> memref<16x125xi32, #tpu.memory_space<hbm>>
      %dma_start3A_39 = arith.constant 0 : i32
      %dma_start3A_40 = arith.constant 0 : i32
      %dma_start3A_41 = tpu.memref_slice %arg2[%arg0, %arg1, %run_scoped3A_20, %dma_start3A_39, %dma_start3A_40] : memref<2x16x5x16x125xi32, #tpu.memory_space<hbm>> -> memref<1x1x1x16x125xi32, #tpu.memory_space<hbm>>
      %dma_start3A_42 = tpu.memref_squeeze %dma_start3A_41 : memref<1x1x1x16x125xi32, #tpu.memory_space<hbm>> -> memref<16x125xi32, #tpu.memory_space<hbm>>
      tpu.enqueue_dma source(%dma_start3A_42 : memref<16x125xi32, #tpu.memory_space<hbm>>) target(%arg7 : memref<16x125xi32, #tpu.memory_space<vmem>>) target_semaphore(%run_scoped3A_35 : memref<!tpu.dma_semaphore, #tpu.memory_space<semaphore_mem>>)
      %dma_wait3A = arith.constant 0 : i32
      %dma_wait3A_43 = arith.constant 0 : i32
      %dma_wait3A_44 = tpu.memref_slice %arg2[%arg0, %arg1, %run_scoped3A_20, %dma_wait3A, %dma_wait3A_43] : memref<2x16x5x16x125xi32, #tpu.memory_space<hbm>> -> memref<1x1x1x16x125xi32, #tpu.memory_space<hbm>>
      %dma_wait3A_45 = tpu.memref_squeeze %dma_wait3A_44 : memref<1x1x1x16x125xi32, #tpu.memory_space<hbm>> -> memref<16x125xi32, #tpu.memory_space<hbm>>
      %dma_wait3A_46 = arith.constant 0 : i32
      %dma_wait3A_47 = arith.constant 0 : i32
      %dma_wait3A_48 = tpu.memref_slice %arg2[%arg0, %arg1, %run_scoped3A_20, %dma_wait3A_46, %dma_wait3A_47] : memref<2x16x5x16x125xi32, #tpu.memory_space<hbm>> -> memref<1x1x1x16x125xi32, #tpu.memory_space<hbm>>
      %dma_wait3A_49 = tpu.memref_squeeze %dma_wait3A_48 : memref<1x1x1x16x125xi32, #tpu.memory_space<hbm>> -> memref<16x125xi32, #tpu.memory_space<hbm>>
      tpu.wait_dma2 semaphore(%run_scoped3A_35 : memref<!tpu.dma_semaphore, #tpu.memory_space<semaphore_mem>>) src(%dma_wait3A_49 : memref<16x125xi32, #tpu.memory_space<hbm>>) dst(%arg7 : memref<16x125xi32, #tpu.memory_space<vmem>>)
      tpu.yield
    }) : () -> ()
    %scan3A_21 = arith.constant 0 : i32
    %scan3A_22 = arith.constant 0 : i32
    %scan3A_23 = arith.constant 16 : i32
    %scan3A_24 = arith.addi %scan3A_22, %scan3A_23 : i32
    %scan3A_25 = arith.constant 1 : i32
    scf.for %scan3A_35 = %scan3A_22 to %scan3A_24 step %scan3A_25  : i32 {
      "tpu.region"() ({
        %run_scoped3A_36 = tpu.sem_alloc : memref<!tpu.dma_semaphore, #tpu.memory_space<semaphore_mem>>
        %dma_start3A = arith.constant 0 : i32
        %dma_start3A_37 = tpu.memref_slice %arg7[%scan3A_35, %dma_start3A] : memref<16x125xi32, #tpu.memory_space<vmem>> -> memref<1x125xi32, #tpu.memory_space<vmem>>
        %dma_start3A_38 = tpu.memref_squeeze %dma_start3A_37 : memref<1x125xi32, #tpu.memory_space<vmem>> -> memref<125xi32, #tpu.memory_space<vmem>>
        %dma_start3A_39 = arith.constant 0 : i32
        %dma_start3A_40 = arith.constant 0 : i32
        %dma_start3A_41 = tpu.memref_slice %arg6[%dma_start3A_39, %dma_start3A_40] : memref<10112x128xf32, #tpu.memory_space<vmem_shared>> -> memref<10112x128xf32, #tpu.memory_space<vmem_shared>>
        tpu.enqueue_indirect_dma source(%arg8 : memref<125x128xf32, #tpu.memory_space<vmem>>) target(%dma_start3A_41 : memref<10112x128xf32, #tpu.memory_space<vmem_shared>>) offsets(%dma_start3A_38 : memref<125xi32, #tpu.memory_space<vmem>>) semaphore(%run_scoped3A_36 : memref<!tpu.dma_semaphore, #tpu.memory_space<semaphore_mem>>) {add = true}
        %dma_wait3A = arith.constant 0 : i32
        %dma_wait3A_42 = tpu.memref_slice %arg7[%scan3A_35, %dma_wait3A] : memref<16x125xi32, #tpu.memory_space<vmem>> -> memref<1x125xi32, #tpu.memory_space<vmem>>
        %dma_wait3A_43 = tpu.memref_squeeze %dma_wait3A_42 : memref<1x125xi32, #tpu.memory_space<vmem>> -> memref<125xi32, #tpu.memory_space<vmem>>
        %dma_wait3A_44 = arith.constant 0 : i32
        %dma_wait3A_45 = arith.constant 0 : i32
        %dma_wait3A_46 = tpu.memref_slice %arg6[%dma_wait3A_44, %dma_wait3A_45] : memref<10112x128xf32, #tpu.memory_space<vmem_shared>> -> memref<10112x128xf32, #tpu.memory_space<vmem_shared>>
        tpu.wait_indirect_dma semaphore(%run_scoped3A_36 : memref<!tpu.dma_semaphore, #tpu.memory_space<semaphore_mem>>) src(%arg8 : memref<125x128xf32, #tpu.memory_space<vmem>>) dst(%dma_wait3A_46 : memref<10112x128xf32, #tpu.memory_space<vmem_shared>>)
        tpu.yield
      }) : () -> ()
    }
    %scan3A_26 = arith.constant 16 : i32
    %run_scoped3A_27 = arith.constant 4 : i32
    "tpu.region"() ({
      %run_scoped3A_35 = tpu.sem_alloc : memref<!tpu.dma_semaphore, #tpu.memory_space<semaphore_mem>>
      %dma_start3A = arith.constant 0 : i32
      %dma_start3A_36 = arith.constant 0 : i32
      %dma_start3A_37 = tpu.memref_slice %arg2[%arg0, %arg1, %run_scoped3A_27, %dma_start3A, %dma_start3A_36] : memref<2x16x5x16x125xi32, #tpu.memory_space<hbm>> -> memref<1x1x1x16x125xi32, #tpu.memory_space<hbm>>
      %dma_start3A_38 = tpu.memref_squeeze %dma_start3A_37 : memref<1x1x1x16x125xi32, #tpu.memory_space<hbm>> -> memref<16x125xi32, #tpu.memory_space<hbm>>
      %dma_start3A_39 = arith.constant 0 : i32
      %dma_start3A_40 = arith.constant 0 : i32
      %dma_start3A_41 = tpu.memref_slice %arg2[%arg0, %arg1, %run_scoped3A_27, %dma_start3A_39, %dma_start3A_40] : memref<2x16x5x16x125xi32, #tpu.memory_space<hbm>> -> memref<1x1x1x16x125xi32, #tpu.memory_space<hbm>>
      %dma_start3A_42 = tpu.memref_squeeze %dma_start3A_41 : memref<1x1x1x16x125xi32, #tpu.memory_space<hbm>> -> memref<16x125xi32, #tpu.memory_space<hbm>>
      tpu.enqueue_dma source(%dma_start3A_42 : memref<16x125xi32, #tpu.memory_space<hbm>>) target(%arg7 : memref<16x125xi32, #tpu.memory_space<vmem>>) target_semaphore(%run_scoped3A_35 : memref<!tpu.dma_semaphore, #tpu.memory_space<semaphore_mem>>)
      %dma_wait3A = arith.constant 0 : i32
      %dma_wait3A_43 = arith.constant 0 : i32
      %dma_wait3A_44 = tpu.memref_slice %arg2[%arg0, %arg1, %run_scoped3A_27, %dma_wait3A, %dma_wait3A_43] : memref<2x16x5x16x125xi32, #tpu.memory_space<hbm>> -> memref<1x1x1x16x125xi32, #tpu.memory_space<hbm>>
      %dma_wait3A_45 = tpu.memref_squeeze %dma_wait3A_44 : memref<1x1x1x16x125xi32, #tpu.memory_space<hbm>> -> memref<16x125xi32, #tpu.memory_space<hbm>>
      %dma_wait3A_46 = arith.constant 0 : i32
      %dma_wait3A_47 = arith.constant 0 : i32
      %dma_wait3A_48 = tpu.memref_slice %arg2[%arg0, %arg1, %run_scoped3A_27, %dma_wait3A_46, %dma_wait3A_47] : memref<2x16x5x16x125xi32, #tpu.memory_space<hbm>> -> memref<1x1x1x16x125xi32, #tpu.memory_space<hbm>>
      %dma_wait3A_49 = tpu.memref_squeeze %dma_wait3A_48 : memref<1x1x1x16x125xi32, #tpu.memory_space<hbm>> -> memref<16x125xi32, #tpu.memory_space<hbm>>
      tpu.wait_dma2 semaphore(%run_scoped3A_35 : memref<!tpu.dma_semaphore, #tpu.memory_space<semaphore_mem>>) src(%dma_wait3A_49 : memref<16x125xi32, #tpu.memory_space<hbm>>) dst(%arg7 : memref<16x125xi32, #tpu.memory_space<vmem>>)
      tpu.yield
    }) : () -> ()
    %scan3A_28 = arith.constant 0 : i32
    %scan3A_29 = arith.constant 0 : i32
    %scan3A_30 = arith.constant 16 : i32
    %scan3A_31 = arith.addi %scan3A_29, %scan3A_30 : i32
    %scan3A_32 = arith.constant 1 : i32
    scf.for %scan3A_35 = %scan3A_29 to %scan3A_31 step %scan3A_32  : i32 {
      "tpu.region"() ({
        %run_scoped3A_36 = tpu.sem_alloc : memref<!tpu.dma_semaphore, #tpu.memory_space<semaphore_mem>>
        %dma_start3A = arith.constant 0 : i32
        %dma_start3A_37 = tpu.memref_slice %arg7[%scan3A_35, %dma_start3A] : memref<16x125xi32, #tpu.memory_space<vmem>> -> memref<1x125xi32, #tpu.memory_space<vmem>>
        %dma_start3A_38 = tpu.memref_squeeze %dma_start3A_37 : memref<1x125xi32, #tpu.memory_space<vmem>> -> memref<125xi32, #tpu.memory_space<vmem>>
        %dma_start3A_39 = arith.constant 0 : i32
        %dma_start3A_40 = arith.constant 0 : i32
        %dma_start3A_41 = tpu.memref_slice %arg6[%dma_start3A_39, %dma_start3A_40] : memref<10112x128xf32, #tpu.memory_space<vmem_shared>> -> memref<10112x128xf32, #tpu.memory_space<vmem_shared>>
        tpu.enqueue_indirect_dma source(%arg8 : memref<125x128xf32, #tpu.memory_space<vmem>>) target(%dma_start3A_41 : memref<10112x128xf32, #tpu.memory_space<vmem_shared>>) offsets(%dma_start3A_38 : memref<125xi32, #tpu.memory_space<vmem>>) semaphore(%run_scoped3A_36 : memref<!tpu.dma_semaphore, #tpu.memory_space<semaphore_mem>>) {add = true}
        %dma_wait3A = arith.constant 0 : i32
        %dma_wait3A_42 = tpu.memref_slice %arg7[%scan3A_35, %dma_wait3A] : memref<16x125xi32, #tpu.memory_space<vmem>> -> memref<1x125xi32, #tpu.memory_space<vmem>>
        %dma_wait3A_43 = tpu.memref_squeeze %dma_wait3A_42 : memref<1x125xi32, #tpu.memory_space<vmem>> -> memref<125xi32, #tpu.memory_space<vmem>>
        %dma_wait3A_44 = arith.constant 0 : i32
        %dma_wait3A_45 = arith.constant 0 : i32
        %dma_wait3A_46 = tpu.memref_slice %arg6[%dma_wait3A_44, %dma_wait3A_45] : memref<10112x128xf32, #tpu.memory_space<vmem_shared>> -> memref<10112x128xf32, #tpu.memory_space<vmem_shared>>
        tpu.wait_indirect_dma semaphore(%run_scoped3A_36 : memref<!tpu.dma_semaphore, #tpu.memory_space<semaphore_mem>>) src(%arg8 : memref<125x128xf32, #tpu.memory_space<vmem>>) dst(%dma_wait3A_46 : memref<10112x128xf32, #tpu.memory_space<vmem_shared>>)
        tpu.yield
      }) : () -> ()
    }
    %scan3A_33 = arith.constant 16 : i32
    %barrier3A_34 = arith.constant 0 : index
    tpu.barrier barrier_id(%barrier3A_34)
    "tpu.region"() ({
      %run_scoped3A_35 = tpu.sem_alloc : memref<!tpu.dma_semaphore, #tpu.memory_space<semaphore_mem>>
      %dma_start3A = arith.constant 0 : i32
      %dma_start3A_36 = tpu.memref_slice %arg5[%arg0, %mul3A_0, %dma_start3A] : memref<2x10112x128xf32, #tpu.memory_space<hbm>> -> memref<1x632x128xf32, #tpu.memory_space<hbm>>
      %dma_start3A_37 = tpu.memref_squeeze %dma_start3A_36 : memref<1x632x128xf32, #tpu.memory_space<hbm>> -> memref<632x128xf32, #tpu.memory_space<hbm>>
      %dma_start3A_38 = arith.constant 0 : i32
      %dma_start3A_39 = tpu.memref_slice %arg6[%mul3A_0, %dma_start3A_38] : memref<10112x128xf32, #tpu.memory_space<vmem_shared>> -> memref<632x128xf32, #tpu.memory_space<vmem_shared>>
      tpu.enqueue_dma source(%dma_start3A_39 : memref<632x128xf32, #tpu.memory_space<vmem_shared>>) target(%dma_start3A_37 : memref<632x128xf32, #tpu.memory_space<hbm>>) target_semaphore(%run_scoped3A_35 : memref<!tpu.dma_semaphore, #tpu.memory_space<semaphore_mem>>)
      %dma_wait3A = arith.constant 0 : i32
      %dma_wait3A_40 = tpu.memref_slice %arg5[%arg0, %mul3A_0, %dma_wait3A] : memref<2x10112x128xf32, #tpu.memory_space<hbm>> -> memref<1x632x128xf32, #tpu.memory_space<hbm>>
      %dma_wait3A_41 = tpu.memref_squeeze %dma_wait3A_40 : memref<1x632x128xf32, #tpu.memory_space<hbm>> -> memref<632x128xf32, #tpu.memory_space<hbm>>
      %dma_wait3A_42 = arith.constant 0 : i32
      %dma_wait3A_43 = tpu.memref_slice %arg6[%mul3A_0, %dma_wait3A_42] : memref<10112x128xf32, #tpu.memory_space<vmem_shared>> -> memref<632x128xf32, #tpu.memory_space<vmem_shared>>
      tpu.wait_dma2 semaphore(%run_scoped3A_35 : memref<!tpu.dma_semaphore, #tpu.memory_space<semaphore_mem>>) src(%dma_wait3A_43 : memref<632x128xf32, #tpu.memory_space<vmem_shared>>) dst(%dma_wait3A_41 : memref<632x128xf32, #tpu.memory_space<hbm>>)
      tpu.yield
    }) : () -> ()
    return
  }
}

</mosaic_0001>

<sc_bundles>
// kernel: _sc_degree.3.cloned.1.call-start
scs
__scs_entry_jumppad:
0x0: {  	(pc) =	sbr.rel $0x88, $3  }
0x1: {  	(tag) =	ssettag $0x0;
	lr =	simm.s32 $0x1  }
0x2: {  	[smem:$0x3F9E] =	sst lr;
	_ =	strace $0xD0000000  }
0x3: {  	_ = 	snop  }
0x4: {  	_ = 	snop  }
0x5: {  	_ = 	snop  }
0x6: {  	_ = 	snop  }
0x7: {  	_ = 	snop  }
__scs_overlays_trampoline_lowered:
0x8: {  	[smem:$0x3FAD] =	sst s0  }
0x9: {  	[smem:$0x3FAE] =	sst s1  }
0xa: {  	[smem:$0x3FAF] =	sst s2  }
0xb: {  	[smem:$0x3FB0] =	sst s3  }
0xc: {  	[smem:$0x3FB1] =	sst s4  }
0xd: {  	[smem:$0x3FB2] =	sst s5  }
0xe: {  	[smem:$0x3FB3] =	sst s6  }
0xf: {  	[smem:$0x3FB4] =	sst s7  }
0x10: {  	[smem:$0x3FB5] =	sst s8  }
0x11: {  	[smem:$0x3FB6] =	sst s9;
	s0 =	simm.s32 @!p0 $0x0  }
0x12: {  	s1 =	sld [smem:$0x3F9C];
	s0 =	simm.s32 @p0 $0x1  }
0x13: {  	[smem:$0x3FB7] =	sst s0;
	s0 =	simm.s32 @!p1 $0x0  }
0x14: {  	s2 =	sld [smem:$0x3F9B];
	s0 =	simm.s32 @p1 $0x1  }
0x15: {  	[smem:$0x3FB8] =	sst s0;
	s0 =	simm.s32 @!p2 $0x0  }
0x16: {  	s3 =	sld [smem:$0x3FDB];
	s0 =	simm.s32 @p2 $0x1  }
0x17: {  	s4 =	simm.s32 $0x1BF5;
	[smem:$0x3FBA] =	sst s0  }
0x18: {  	s0 =	sld [smem:$0x3F9D];
	_ =	swait.ge [sflag:s4], $0x0  }
0x19: {  	s7 =	sld [smem:$0x3F9E]  }
0x1a: {  	s8 =	sadd.s32 $0xFFFFE003, lr  }
0x1b: {  	s9 =	sadd.s32 $0xFFFFFEF7, lr;
	s5 =	simm.s32 $0xFFFFFFFF;
	p2 =	slt.u32 s8, $0xFFFFF086  }
0x1c: {  	p1 =	slt.u32 s9, $0xF7A;
	s5 =	simm.s32 @!p2 $0x0  }
0x1d: {  	s5 =	simm.s32 @p1 $0x1;
	p0 =	seq.s32 s7, s2  }
0x1e: {  	s7 =	smul.u32 @!p0 $0xF7A, s2;
	p2 =	seq.s32 @!p0 s5, $0x0  }
0x1f: {  	s9 =	smul.u32 $0xF7A, s1;
	s8 =	simm.s32 @!p0 $0x1BF5;
	p2 =	por !p2, p0  }
0x20: {  	[sflag:s8] =	ssyncset.s32 @!p0 $0xFFFFF086;
	s6 =	sadd.s32 @!p0 s3, s7;
	s7 =	simm.s32 @!p0 $0x108  }
0x21: {  	s3 =	sadd.s32 s3, s9;
	s6 =	sadd.s32 @!p0 $0x88, s6;
	s7 =	simm.s32 @p2 $0x1082  }
0x22: {  	[simem:s7], [sflag:s8] =	dma.local @!p0 [hbm:s6], $0xF7A  }
0x23: {  	s9 =	sor.u32 $0xD0000000, s2;
	s6 =	simm.s32 $0x108;
	_ =	swait.ge @!p0 [sflag:s8], $0x0  }
0x24: {  	s3 =	sadd.s32 $0x88, s3;
	s6 =	simm.s32 @!p1 $0x1082;
	[sflag:s4] =	ssyncset.s32 $0xFFFFF086  }
0x25: {  	[simem:s6], [sflag:s4] =	dma.local [hbm:s3], $0xF7A  }
0x26: {  	[smem:$0x3F9E] =	sst s1;
	(tag) =	ssettag s2;
	_ =	strace s9  }
0x27: {  	s1 =	sld [smem:$0x3FAE]  }
0x28: {  	s2 =	sld [smem:$0x3FAF]  }
0x29: {  	s4 =	sld [smem:$0x3FB1]  }
0x2a: {  	p0 =	seq.s32 s5, $0x0;
	s5 =	sld [smem:$0x3FB2]  }
0x2b: {  	s6 =	sld [smem:$0x3FB3]  }
0x2c: {  	s7 =	sld [smem:$0x3FB4]  }
0x2d: {  	s3 =	simm.s32 $0x108;
	s8 =	sld [smem:$0x3FB5]  }
0x2e: {  	s3 =	simm.s32 @!p0 $0x1082;
	s9 =	sld [smem:$0x3FB6]  }
0x2f: {  	lr =	sadd.s32 s0, s3;
	s0 =	sld [smem:$0x3FAD]  }
0x30: {  	s3 =	sld [smem:$0x3FB0]  }
0x31: {  	[smem:$0x3FB9] =	sst s10  }
0x32: {  	s10 =	sld [smem:$0x3FB7];
	_ =	sdelay $0x3  }
0x33: {  	p0 =	seq.s32 s10, $0x1;
	s10 =	sld [smem:$0x3FB9];
	_ =	sdelay $0x3  }
0x34: {  	[smem:$0x3FB9] =	sst s10  }
0x35: {  	s10 =	sld [smem:$0x3FB8];
	_ =	sdelay $0x3  }
0x36: {  	p1 =	seq.s32 s10, $0x1;
	s10 =	sld [smem:$0x3FB9];
	_ =	sdelay $0x3  }
0x37: {  	[smem:$0x3FB9] =	sst s10  }
0x38: {  	s10 =	sld [smem:$0x3FBA]  }
0x39: {  	_ = 	snop;
	(pc) =	sbr.ind lr, $3  }
0x3a: {  	_ = 	snop  }
0x3b: {  	_ = 	snop  }
0x3c: {  	p2 =	seq.s32 s10, $0x1;
	s10 =	sld [smem:$0x3FB9]  }
0x3d: {  	_ =	shalt  }
0x3e: {  	_ =	shalt  }
0x3f: {  	_ =	shalt  }
0x40: {  	_ =	shalt  }
0x41: {  	_ =	shalt  }
0x42: {  	_ =	shalt  }
0x43: {  	_ =	shalt  }
0x44: {  	_ =	shalt  }
0x45: {  	_ =	shalt  }
0x46: {  	_ =	shalt  }
0x47: {  	_ =	shalt  }
0x48: {  	_ =	shalt  }
0x49: {  	_ =	shalt  }
0x4a: {  	_ =	shalt  }
0x4b: {  	_ =	shalt  }
0x4c: {  	_ =	shalt  }
0x4d: {  	_ =	shalt  }
0x4e: {  	_ =	shalt  }
0x4f: {  	_ =	shalt  }
0x50: {  	_ =	shalt  }
0x51: {  	_ =	shalt  }
0x52: {  	_ =	shalt  }
0x53: {  	_ =	shalt  }
0x54: {  	_ =	shalt  }
0x55: {  	_ =	shalt  }
0x56: {  	_ =	shalt  }
0x57: {  	_ =	shalt  }
0x58: {  	_ =	shalt  }
0x59: {  	_ =	shalt  }
0x5a: {  	_ =	shalt  }
0x5b: {  	_ =	shalt  }
0x5c: {  	_ =	shalt  }
0x5d: {  	_ =	shalt  }
0x5e: {  	_ =	shalt  }
0x5f: {  	_ =	shalt  }
0x60: {  	_ =	shalt  }
0x61: {  	_ =	shalt  }
0x62: {  	_ =	shalt  }
0x63: {  	_ =	shalt  }
0x64: {  	_ =	shalt  }
0x65: {  	_ =	shalt  }
0x66: {  	_ =	shalt  }
0x67: {  	_ =	shalt  }
0x68: {  	_ =	shalt  }
0x69: {  	_ =	shalt  }
0x6a: {  	_ =	shalt  }
0x6b: {  	_ =	shalt  }
0x6c: {  	_ =	shalt  }
0x6d: {  	_ =	shalt  }
0x6e: {  	_ =	shalt  }
0x6f: {  	_ =	shalt  }
0x70: {  	_ =	shalt  }
0x71: {  	_ =	shalt  }
0x72: {  	_ =	shalt  }
0x73: {  	_ =	shalt  }
0x74: {  	_ =	shalt  }
0x75: {  	_ =	shalt  }
0x76: {  	_ =	shalt  }
0x77: {  	_ =	shalt  }
0x78: {  	_ =	shalt  }
0x79: {  	_ =	shalt  }
0x7a: {  	_ =	shalt  }
0x7b: {  	_ =	shalt  }
0x7c: {  	_ =	shalt  }
0x7d: {  	_ =	shalt  }
0x7e: {  	_ =	shalt  }
0x7f: {  	_ =	shalt  }
0x80: {  	_ =	shalt  }
0x81: {  	_ =	shalt  }
0x82: {  	_ =	shalt  }
0x83: {  	_ =	shalt  }
0x84: {  	_ =	shalt  }
0x85: {  	_ =	shalt  }
0x86: {  	_ =	shalt  }
0x87: {  	_ =	shalt  }
.Lfunc_end0:
.L_simem_size_0:
called_computation_lowered:
.L_overlay_start_0:
0x88: {  	s2 =	sld [smem:$0x3FD9]  }
0x89: {  	s3 =	sld [smem:$0x3FFE];
	_ =	sdelay $0x1  }
0x8a: {  	s1 =	srdreg.scid  }
0x8b: {  	s0 =	sand.u32 $0x1, s1  }
0x8c: {  	s18 =	sshll.u32 s0, $0xA;
	s2 =	sadd.s32 s3, s2  }
0x8d: {  	s2 =	sadd.s32 s2, s18  }
0x8e: {  	[smem:$0x3FC5] =	sst s2  }
0x8f: {  	_ = 	snop  }
0x90: {  	s2 =	sld [smem:$0x3FC9]  }
0x91: {  	s19 =	sld [smem:$0x3FC8]  }
0x92: {  	s4 =	sld [smem:$0x3FC7]  }
0x93: {  	s5 =	sld [smem:$0x3FD0];
	(tm) =	ssettm $0x1  }
0x94: {  	s6 =	sld [smem:$0x3FFB];
	_ =	sdelay $0x3  }
0x95: {  	_ =	strace s6  }
0x96: {  	s6 =	sld [smem:$0x3FFC];
	_ =	sdelay $0x3  }
0x97: {  	_ =	strace s6  }
0x98: {  	s6 =	sld [smem:$0x3FFD];
	_ =	sdelay $0x3  }
0x99: {  	_ =	strace s6  }
0x9a: {  	_ =	strace $0x8FFFFFFF  }
0x9b: {  	s20 =	sld [smem:$0x3FDB];
	_ =	sdelay $0x1  }
0x9c: {  	s7 =	simm.s32 $_scs_section_size  }
0x9d: {  	s8 =	simm.s32 $_size__tile_overlayer_lowered;
	s9 =	simm.s32 $_tile_overlayer_lowered  }
0x9e: {  	s23 =	simm.s32 $0x1BFF;
	s22 =	sshll.u32 s9, $0x1;
	s6 =	sadd.s32 s7, s20  }
0x9f: {  	s10 =	simm.s32 $0x0;
	s21 =	sshll.u32 s8, $0x1;
	s8 =	sadd.s32 s22, s6  }
0xa0: {  	[timem:s10], [sflag:s23] =	dma.local [hbm:s8], s21  }
0xa1: {  	_ =	swait.ge [sflag:s23], s21  }
0xa2: {  	s7 =	ssub.s32 $0x0, s21;
	[sflag:s23] =	ssyncset.done $0x0  }
0xa3: {  	[sflag:s23] =	ssyncadd.s32 s7;
	_ =	sdelay $0x1  }
0xa4: {  	s24 =	simm.s32 $0x1B8B  }
0xa5: {  	_ =	swait.ge [sflag:s24], $0x1  }
0xa6: {  	[sflag:s24] =	ssyncset.done $0x0  }
0xa7: {  	s25 =	simm.s32 $0x1B8E;
	[sflag:s24] =	ssyncadd.s32 $0xFFFFFFFF  }
0xa8: {  	s26 =	simm.s32 $execute0_lowered;
	[smem:$0x3FD2] =	sst s25  }
0xa9: {  	s7 =	sshll.u32 s26, $0x1;
	_ =	strace $0x80000046;
	[dreg:$0x1] =	wrdreg $0xFFFFFFFF  }
0xaa: {  	s28 =	simm.s32 $_size_execute0_lowered;
	s6 =	sadd.s32 s6, s7;
	[dreg:$0x0] =	wrdreg $0x0  }
0xab: {  	s7 =	sshll.u32 s28, $0x1;
	[dreg:$0x2] =	wrdreg s6  }
0xac: {  	[dreg:$0x3] =	wrdreg s7  }
0xad: {  	[dreg:$0x4] =	wrdreg $0xC0  }
0xae: {  	_ =	task [dreg:s10], $0x5FFFF  }
0xaf: {  	[dreg:$0x1] =	wrdreg $0xFFFFFFFF  }
0xb0: {  	[dreg:$0x0] =	wrdreg $0x60  }
0xb1: {  	[dreg:$0x2] =	wrdreg s2  }
0xb2: {  	[dreg:$0x3] =	wrdreg s19  }
0xb3: {  	[dreg:$0x4] =	wrdreg s4  }
0xb4: {  	[dreg:$0x5] =	wrdreg s5  }
0xb5: {  	[dreg:$0x6] =	wrdreg $0x0  }
0xb6: {  	[dreg:$0x7] =	wrdreg $0x9  }
0xb7: {  	_ =	task.clear_ibuf [dreg:s10], $0x8FFFF;
	_ =	strace $0x90000046  }
0xb8: {  	s29 =	simm.s32 $0x9;
	_ =	strace $0x80000048  }
0xb9: {  	_ =	swait.ge [sflag:s29], $0x1  }
0xba: {  	[sflag:s29] =	ssyncadd.s32 $0xFFFFFFFF  }
0xbb: {  	_ =	strace $0x90000048  }
0xbc: {  	_ =	sfence  }
0xbd: {  	s30 =	sld [smem:$0x0];
	_ =	sdelay $0x2  }
0xbe: {  	s31 =	sshll.u32 s1, $0xD;
	s1 =	sshrl.u32 s1, $0x2  }
0xbf: {  	s3 =	sand.u32 $0x4000, s31;
	s1 =	sadd.s32 s1, s30  }
0xc0: {  	s0 =	sor.u32 s3, s0;
	s1 =	sshll.u32 s1, $0x11  }
0xc1: {  	s0 =	sor.u32 s1, s0  }
0xc2: {  	s0 =	sadd.s32 $0x8F2B, s0  }
0xc3: {  	[sflag:s0] =	ssyncadd.remote.s32 $0x1  }
0xc4: {  	_ =	sfence.sel $0xFFFF  }
0xc5: {  	[dreg:$0x0] =	wrdreg $0xFFFFFFFF;
	(pc) =	sbr.abs _section_cstart, $3  }
0xc6: {  	[dreg:$0x1] =	wrdreg $0xFFFFFFFF  }
0xc7: {  	_ =	task.clear_ibuf [dreg:s10], $0x2FFFF;
	_ =	strace $0x9FFFFFFF  }
0xc8: {  	(tm) =	ssettm $0x7FFFFFFF  }
0xc9: {  	_ =	shalt  }
tec
execute0_lowered:
.L_overlay_start_1:
0x0: {  	(tag) =	ssettag $0x1  }
0x1: {  	s8 =	rddreg [dreg:$0x0]  }
0x2: {  	s0 =	rddreg [dreg:$0x1]  }
0x3: {  	s25 =	rddreg [dreg:$0x2]  }
0x4: {  	s2 =	rddreg [dreg:$0x4];
	s1 =	stileid.u32  }
0x5: {  	[dreg:$0x6] =	wrdreg s0;
	s4 =	smul.u32 $0x4F000, s1  }
0x6: {  	s3 =	simm.s32 $0x0;
	s26 =	srdreg.scid;
	[dreg:$0x7] =	wrdreg s25  }
0x7: {  	[smem:$0x7FF] =	sst s3;
	s5 =	sshll.u32 s1, $0x6;
	s4 =	sshrl.u32 s4, $0x2  }
0x8: {  	_ =	strace $0x80000047;
	s5 =	sor.u32 $0x1C01, s5;
	s4 =	sadd.s32 s4, s2  }
0x9: {  	s7 =	rddreg [dreg:$0x6];
	s6 =	sshrl.u32 s4, $0x3;
	s4 =	simm.s32 $0x1  }
0xa: {  	[spmem:s6], [sflag:s5] =	dma.local [hbm:s7], $0x2780  }
0xb: {  	s31 =	sand.u32 $0x1, s26;
	s11 =	smul.u32 $0x2800, s1;
	_ =	swait.ge [sflag:s4], $0x2780  }
0xc: {  	s10 =	smul.u32 $0x28000, s31;
	[sflag:s4] =	ssyncset.done $0x0  }
0xd: {  	s7 =	simm.s32 $0x14400;
	s9 =	rddreg [dreg:$0x7];
	[sflag:s4] =	ssyncadd.s32 $0xFFFFD880  }
0xe: {  	[tilespmem:s7], [sflag:$0x1] =	stream.linear.gather [hbm4b:s9+s3], $0x3E80, $0x38;
	[tilespmem:$0x18400] =	vst v63  }
0xf: {  	_ =	swait.ge [sflag:s4], $0x3E80  }
0x10: {  	s0 =	sadd.s32 s11, s10;
	[sflag:s4] =	ssyncset.done $0x0  }
0x11: {  	s9 =	sshrl.u32 s0, $0x3;
	[sflag:s4] =	ssyncadd.s32 $0xFFFFC180  }
0x12: {  	s8 =	sadd.s32 s8, s9;
	s9 =	simm.s32 $0x13C00;
	[bflag:$0x0] =	sbarrier.arrive $0xFFFF  }
0x13: {  	[tilespmem:s9], [sflag:$0x1] =	stream.linear.gather [hbm4b:s8+s3], $0x800, $0x38;
	[tilespmem:$0x18400] =	vst v63  }
0x14: {  	_ =	swait.ge [sflag:s4], $0x800  }
0x15: {  	[sflag:s4] =	ssyncset.done $0x0  }
0x16: {  	s10 =	simm.s32 $0x7D;
	[sflag:s4] =	ssyncadd.s32 $0xFFFFF800  }
0x17: {  	[spmem:s2] =	stream.indirect.scatter.add.f32 [tilespmem:s7], [sflag:$0x1], $0x80, s9, s10, $0xb8;
	[tilespmem:$0x18400] =	vst v63  }
0x18: {  	_ =	swait.ge [sflag:s4], $0x3E80  }
0x19: {  	[sflag:s4] =	ssyncset.done $0x0  }
0x1a: {  	s11 =	simm.s32 $0x13C80;
	[sflag:s4] =	ssyncadd.s32 $0xFFFFC180  }
0x1b: {  	[spmem:s2] =	stream.indirect.scatter.add.f32 [tilespmem:s7], [sflag:$0x1], $0x80, s11, s10, $0xb8;
	[tilespmem:$0x18400] =	vst v63  }
0x1c: {  	_ =	swait.ge [sflag:s4], $0x3E80  }
0x1d: {  	[sflag:s4] =	ssyncset.done $0x0  }
0x1e: {  	s12 =	simm.s32 $0x13D00;
	[sflag:s4] =	ssyncadd.s32 $0xFFFFC180  }
0x1f: {  	[spmem:s2] =	stream.indirect.scatter.add.f32 [tilespmem:s7], [sflag:$0x1], $0x80, s12, s10, $0xb8;
	[tilespmem:$0x18400] =	vst v63  }
0x20: {  	_ =	swait.ge [sflag:s4], $0x3E80  }
0x21: {  	[sflag:s4] =	ssyncset.done $0x0  }
0x22: {  	s13 =	simm.s32 $0x13D80;
	[sflag:s4] =	ssyncadd.s32 $0xFFFFC180  }
0x23: {  	[spmem:s2] =	stream.indirect.scatter.add.f32 [tilespmem:s7], [sflag:$0x1], $0x80, s13, s10, $0xb8;
	[tilespmem:$0x18400] =	vst v63  }
0x24: {  	_ =	swait.ge [sflag:s4], $0x3E80  }
0x25: {  	[sflag:s4] =	ssyncset.done $0x0  }
0x26: {  	s14 =	simm.s32 $0x13E00;
	[sflag:s4] =	ssyncadd.s32 $0xFFFFC180  }
0x27: {  	[spmem:s2] =	stream.indirect.scatter.add.f32 [tilespmem:s7], [sflag:$0x1], $0x80, s14, s10, $0xb8;
	[tilespmem:$0x18400] =	vst v63  }
0x28: {  	_ =	swait.ge [sflag:s4], $0x3E80  }
0x29: {  	[sflag:s4] =	ssyncset.done $0x0  }
0x2a: {  	s15 =	simm.s32 $0x13E80;
	[sflag:s4] =	ssyncadd.s32 $0xFFFFC180  }
0x2b: {  	[spmem:s2] =	stream.indirect.scatter.add.f32 [tilespmem:s7], [sflag:$0x1], $0x80, s15, s10, $0xb8;
	[tilespmem:$0x18400] =	vst v63  }
0x2c: {  	_ =	swait.ge [sflag:s4], $0x3E80  }
0x2d: {  	[sflag:s4] =	ssyncset.done $0x0  }
0x2e: {  	s16 =	simm.s32 $0x13F00;
	[sflag:s4] =	ssyncadd.s32 $0xFFFFC180  }
0x2f: {  	[spmem:s2] =	stream.indirect.scatter.add.f32 [tilespmem:s7], [sflag:$0x1], $0x80, s16, s10, $0xb8;
	[tilespmem:$0x18400] =	vst v63  }
0x30: {  	_ =	swait.ge [sflag:s4], $0x3E80  }
0x31: {  	[sflag:s4] =	ssyncset.done $0x0  }
0x32: {  	s17 =	simm.s32 $0x13F80;
	[sflag:s4] =	ssyncadd.s32 $0xFFFFC180  }
0x33: {  	[spmem:s2] =	stream.indirect.scatter.add.f32 [tilespmem:s7], [sflag:$0x1], $0x80, s17, s10, $0xb8;
	[tilespmem:$0x18400] =	vst v63  }
0x34: {  	_ =	swait.ge [sflag:s4], $0x3E80  }
0x35: {  	[sflag:s4] =	ssyncset.done $0x0  }
0x36: {  	s18 =	simm.s32 $0x14000;
	[sflag:s4] =	ssyncadd.s32 $0xFFFFC180  }
0x37: {  	[spmem:s2] =	stream.indirect.scatter.add.f32 [tilespmem:s7], [sflag:$0x1], $0x80, s18, s10, $0xb8;
	[tilespmem:$0x18400] =	vst v63  }
0x38: {  	_ =	swait.ge [sflag:s4], $0x3E80  }
0x39: {  	[sflag:s4] =	ssyncset.done $0x0  }
0x3a: {  	s19 =	simm.s32 $0x14080;
	[sflag:s4] =	ssyncadd.s32 $0xFFFFC180  }
0x3b: {  	[spmem:s2] =	stream.indirect.scatter.add.f32 [tilespmem:s7], [sflag:$0x1], $0x80, s19, s10, $0xb8;
	[tilespmem:$0x18400] =	vst v63  }
0x3c: {  	_ =	swait.ge [sflag:s4], $0x3E80  }
0x3d: {  	[sflag:s4] =	ssyncset.done $0x0  }
0x3e: {  	s20 =	simm.s32 $0x14100;
	[sflag:s4] =	ssyncadd.s32 $0xFFFFC180  }
0x3f: {  	[spmem:s2] =	stream.indirect.scatter.add.f32 [tilespmem:s7], [sflag:$0x1], $0x80, s20, s10, $0xb8;
	[tilespmem:$0x18400] =	vst v63  }
0x40: {  	_ =	swait.ge [sflag:s4], $0x3E80  }
0x41: {  	[sflag:s4] =	ssyncset.done $0x0  }
0x42: {  	s21 =	simm.s32 $0x14180;
	[sflag:s4] =	ssyncadd.s32 $0xFFFFC180  }
0x43: {  	[spmem:s2] =	stream.indirect.scatter.add.f32 [tilespmem:s7], [sflag:$0x1], $0x80, s21, s10, $0xb8;
	[tilespmem:$0x18400] =	vst v63  }
0x44: {  	_ =	swait.ge [sflag:s4], $0x3E80  }
0x45: {  	[sflag:s4] =	ssyncset.done $0x0  }
0x46: {  	s22 =	simm.s32 $0x14200;
	[sflag:s4] =	ssyncadd.s32 $0xFFFFC180  }
0x47: {  	[spmem:s2] =	stream.indirect.scatter.add.f32 [tilespmem:s7], [sflag:$0x1], $0x80, s22, s10, $0xb8;
	[tilespmem:$0x18400] =	vst v63  }
0x48: {  	_ =	swait.ge [sflag:s4], $0x3E80  }
0x49: {  	[sflag:s4] =	ssyncset.done $0x0  }
0x4a: {  	s23 =	simm.s32 $0x14280;
	[sflag:s4] =	ssyncadd.s32 $0xFFFFC180  }
0x4b: {  	[spmem:s2] =	stream.indirect.scatter.add.f32 [tilespmem:s7], [sflag:$0x1], $0x80, s23, s10, $0xb8;
	[tilespmem:$0x18400] =	vst v63  }
0x4c: {  	_ =	swait.ge [sflag:s4], $0x3E80  }
0x4d: {  	[sflag:s4] =	ssyncset.done $0x0  }
0x4e: {  	s24 =	simm.s32 $0x14300;
	[sflag:s4] =	ssyncadd.s32 $0xFFFFC180  }
0x4f: {  	[spmem:s2] =	stream.indirect.scatter.add.f32 [tilespmem:s7], [sflag:$0x1], $0x80, s24, s10, $0xb8;
	[tilespmem:$0x18400] =	vst v63  }
0x50: {  	_ =	swait.ge [sflag:s4], $0x3E80  }
0x51: {  	[sflag:s4] =	ssyncset.done $0x0  }
0x52: {  	s25 =	simm.s32 $0x14380;
	[sflag:s4] =	ssyncadd.s32 $0xFFFFC180  }
0x53: {  	[spmem:s2] =	stream.indirect.scatter.add.f32 [tilespmem:s7], [sflag:$0x1], $0x80, s25, s10, $0xb8;
	[tilespmem:$0x18400] =	vst v63  }
0x54: {  	_ =	swait.ge [sflag:s4], $0x3E80  }
0x55: {  	[sflag:s4] =	ssyncset.done $0x0  }
0x56: {  	s26 =	sadd.s32 $0x100, s8;
	[sflag:s4] =	ssyncadd.s32 $0xFFFFC180  }
0x57: {  	[tilespmem:s9], [sflag:$0x1] =	stream.linear.gather [hbm4b:s26+s3], $0x800, $0x38;
	[tilespmem:$0x18400] =	vst v63  }
0x58: {  	_ =	swait.ge [sflag:s4], $0x800  }
0x59: {  	[sflag:s4] =	ssyncset.done $0x0  }
0x5a: {  	[sflag:s4] =	ssyncadd.s32 $0xFFFFF800  }
0x5b: {  	[spmem:s2] =	stream.indirect.scatter.add.f32 [tilespmem:s7], [sflag:$0x1], $0x80, s9, s10, $0xb8;
	[tilespmem:$0x18400] =	vst v63  }
0x5c: {  	_ =	swait.ge [sflag:s4], $0x3E80  }
0x5d: {  	[sflag:s4] =	ssyncset.done $0x0  }
0x5e: {  	[sflag:s4] =	ssyncadd.s32 $0xFFFFC180  }
0x5f: {  	[spmem:s2] =	stream.indirect.scatter.add.f32 [tilespmem:s7], [sflag:$0x1], $0x80, s11, s10, $0xb8;
	[tilespmem:$0x18400] =	vst v63  }
0x60: {  	_ =	swait.ge [sflag:s4], $0x3E80  }
0x61: {  	[sflag:s4] =	ssyncset.done $0x0  }
0x62: {  	[sflag:s4] =	ssyncadd.s32 $0xFFFFC180  }
0x63: {  	[spmem:s2] =	stream.indirect.scatter.add.f32 [tilespmem:s7], [sflag:$0x1], $0x80, s12, s10, $0xb8;
	[tilespmem:$0x18400] =	vst v63  }
0x64: {  	_ =	swait.ge [sflag:s4], $0x3E80  }
0x65: {  	[sflag:s4] =	ssyncset.done $0x0  }
0x66: {  	[sflag:s4] =	ssyncadd.s32 $0xFFFFC180  }
0x67: {  	[spmem:s2] =	stream.indirect.scatter.add.f32 [tilespmem:s7], [sflag:$0x1], $0x80, s13, s10, $0xb8;
	[tilespmem:$0x18400] =	vst v63  }
0x68: {  	_ =	swait.ge [sflag:s4], $0x3E80  }
0x69: {  	[sflag:s4] =	ssyncset.done $0x0  }
0x6a: {  	[sflag:s4] =	ssyncadd.s32 $0xFFFFC180  }
0x6b: {  	[spmem:s2] =	stream.indirect.scatter.add.f32 [tilespmem:s7], [sflag:$0x1], $0x80, s14, s10, $0xb8;
	[tilespmem:$0x18400] =	vst v63  }
0x6c: {  	_ =	swait.ge [sflag:s4], $0x3E80  }
0x6d: {  	[sflag:s4] =	ssyncset.done $0x0  }
0x6e: {  	[sflag:s4] =	ssyncadd.s32 $0xFFFFC180  }
0x6f: {  	[spmem:s2] =	stream.indirect.scatter.add.f32 [tilespmem:s7], [sflag:$0x1], $0x80, s15, s10, $0xb8;
	[tilespmem:$0x18400] =	vst v63  }
0x70: {  	_ =	swait.ge [sflag:s4], $0x3E80  }
0x71: {  	[sflag:s4] =	ssyncset.done $0x0  }
0x72: {  	[sflag:s4] =	ssyncadd.s32 $0xFFFFC180  }
0x73: {  	[spmem:s2] =	stream.indirect.scatter.add.f32 [tilespmem:s7], [sflag:$0x1], $0x80, s16, s10, $0xb8;
	[tilespmem:$0x18400] =	vst v63  }
0x74: {  	_ =	swait.ge [sflag:s4], $0x3E80  }
0x75: {  	[sflag:s4] =	ssyncset.done $0x0  }
0x76: {  	[sflag:s4] =	ssyncadd.s32 $0xFFFFC180  }
0x77: {  	[spmem:s2] =	stream.indirect.scatter.add.f32 [tilespmem:s7], [sflag:$0x1], $0x80, s17, s10, $0xb8;
	[tilespmem:$0x18400] =	vst v63  }
0x78: {  	_ =	swait.ge [sflag:s4], $0x3E80  }
0x79: {  	[sflag:s4] =	ssyncset.done $0x0  }
0x7a: {  	[sflag:s4] =	ssyncadd.s32 $0xFFFFC180  }
0x7b: {  	[spmem:s2] =	stream.indirect.scatter.add.f32 [tilespmem:s7], [sflag:$0x1], $0x80, s18, s10, $0xb8;
	[tilespmem:$0x18400] =	vst v63  }
0x7c: {  	_ =	swait.ge [sflag:s4], $0x3E80  }
0x7d: {  	[sflag:s4] =	ssyncset.done $0x0  }
0x7e: {  	[sflag:s4] =	ssyncadd.s32 $0xFFFFC180  }
0x7f: {  	[spmem:s2] =	stream.indirect.scatter.add.f32 [tilespmem:s7], [sflag:$0x1], $0x80, s19, s10, $0xb8;
	[tilespmem:$0x18400] =	vst v63  }
0x80: {  	_ =	swait.ge [sflag:s4], $0x3E80  }
0x81: {  	[sflag:s4] =	ssyncset.done $0x0  }
0x82: {  	[sflag:s4] =	ssyncadd.s32 $0xFFFFC180  }
0x83: {  	[spmem:s2] =	stream.indirect.scatter.add.f32 [tilespmem:s7], [sflag:$0x1], $0x80, s20, s10, $0xb8;
	[tilespmem:$0x18400] =	vst v63  }
0x84: {  	_ =	swait.ge [sflag:s4], $0x3E80  }
0x85: {  	[sflag:s4] =	ssyncset.done $0x0  }
0x86: {  	[sflag:s4] =	ssyncadd.s32 $0xFFFFC180  }
0x87: {  	[spmem:s2] =	stream.indirect.scatter.add.f32 [tilespmem:s7], [sflag:$0x1], $0x80, s21, s10, $0xb8;
	[tilespmem:$0x18400] =	vst v63  }
0x88: {  	_ =	swait.ge [sflag:s4], $0x3E80  }
0x89: {  	[sflag:s4] =	ssyncset.done $0x0  }
0x8a: {  	[sflag:s4] =	ssyncadd.s32 $0xFFFFC180  }
0x8b: {  	[spmem:s2] =	stream.indirect.scatter.add.f32 [tilespmem:s7], [sflag:$0x1], $0x80, s22, s10, $0xb8;
	[tilespmem:$0x18400] =	vst v63  }
0x8c: {  	_ =	swait.ge [sflag:s4], $0x3E80  }
0x8d: {  	[sflag:s4] =	ssyncset.done $0x0  }
0x8e: {  	[sflag:s4] =	ssyncadd.s32 $0xFFFFC180  }
0x8f: {  	[spmem:s2] =	stream.indirect.scatter.add.f32 [tilespmem:s7], [sflag:$0x1], $0x80, s23, s10, $0xb8;
	[tilespmem:$0x18400] =	vst v63  }
0x90: {  	_ =	swait.ge [sflag:s4], $0x3E80  }
0x91: {  	[sflag:s4] =	ssyncset.done $0x0  }
0x92: {  	[sflag:s4] =	ssyncadd.s32 $0xFFFFC180  }
0x93: {  	[spmem:s2] =	stream.indirect.scatter.add.f32 [tilespmem:s7], [sflag:$0x1], $0x80, s24, s10, $0xb8;
	[tilespmem:$0x18400] =	vst v63  }
0x94: {  	_ =	swait.ge [sflag:s4], $0x3E80  }
0x95: {  	[sflag:s4] =	ssyncset.done $0x0  }
0x96: {  	[sflag:s4] =	ssyncadd.s32 $0xFFFFC180  }
0x97: {  	[spmem:s2] =	stream.indirect.scatter.add.f32 [tilespmem:s7], [sflag:$0x1], $0x80, s25, s10, $0xb8;
	[tilespmem:$0x18400] =	vst v63  }
0x98: {  	_ =	swait.ge [sflag:s4], $0x3E80  }
0x99: {  	[sflag:s4] =	ssyncset.done $0x0  }
0x9a: {  	s28 =	sadd.s32 $0x200, s8;
	[sflag:s4] =	ssyncadd.s32 $0xFFFFC180  }
0x9b: {  	[tilespmem:s9], [sflag:$0x1] =	stream.linear.gather [hbm4b:s28+s3], $0x800, $0x38;
	[tilespmem:$0x18400] =	vst v63  }
0x9c: {  	_ =	swait.ge [sflag:s4], $0x800  }
0x9d: {  	[sflag:s4] =	ssyncset.done $0x0  }
0x9e: {  	[sflag:s4] =	ssyncadd.s32 $0xFFFFF800  }
0x9f: {  	[spmem:s2] =	stream.indirect.scatter.add.f32 [tilespmem:s7], [sflag:$0x1], $0x80, s9, s10, $0xb8;
	[tilespmem:$0x18400] =	vst v63  }
0xa0: {  	_ =	swait.ge [sflag:s4], $0x3E80  }
0xa1: {  	[sflag:s4] =	ssyncset.done $0x0  }
0xa2: {  	[sflag:s4] =	ssyncadd.s32 $0xFFFFC180  }
0xa3: {  	[spmem:s2] =	stream.indirect.scatter.add.f32 [tilespmem:s7], [sflag:$0x1], $0x80, s11, s10, $0xb8;
	[tilespmem:$0x18400] =	vst v63  }
0xa4: {  	_ =	swait.ge [sflag:s4], $0x3E80  }
0xa5: {  	[sflag:s4] =	ssyncset.done $0x0  }
0xa6: {  	[sflag:s4] =	ssyncadd.s32 $0xFFFFC180  }
0xa7: {  	[spmem:s2] =	stream.indirect.scatter.add.f32 [tilespmem:s7], [sflag:$0x1], $0x80, s12, s10, $0xb8;
	[tilespmem:$0x18400] =	vst v63  }
0xa8: {  	_ =	swait.ge [sflag:s4], $0x3E80  }
0xa9: {  	[sflag:s4] =	ssyncset.done $0x0  }
0xaa: {  	[sflag:s4] =	ssyncadd.s32 $0xFFFFC180  }
0xab: {  	[spmem:s2] =	stream.indirect.scatter.add.f32 [tilespmem:s7], [sflag:$0x1], $0x80, s13, s10, $0xb8;
	[tilespmem:$0x18400] =	vst v63  }
0xac: {  	_ =	swait.ge [sflag:s4], $0x3E80  }
0xad: {  	[sflag:s4] =	ssyncset.done $0x0  }
0xae: {  	[sflag:s4] =	ssyncadd.s32 $0xFFFFC180  }
0xaf: {  	[spmem:s2] =	stream.indirect.scatter.add.f32 [tilespmem:s7], [sflag:$0x1], $0x80, s14, s10, $0xb8;
	[tilespmem:$0x18400] =	vst v63  }
0xb0: {  	_ =	swait.ge [sflag:s4], $0x3E80  }
0xb1: {  	[sflag:s4] =	ssyncset.done $0x0  }
0xb2: {  	[sflag:s4] =	ssyncadd.s32 $0xFFFFC180  }
0xb3: {  	[spmem:s2] =	stream.indirect.scatter.add.f32 [tilespmem:s7], [sflag:$0x1], $0x80, s15, s10, $0xb8;
	[tilespmem:$0x18400] =	vst v63  }
0xb4: {  	_ =	swait.ge [sflag:s4], $0x3E80  }
0xb5: {  	[sflag:s4] =	ssyncset.done $0x0  }
0xb6: {  	[sflag:s4] =	ssyncadd.s32 $0xFFFFC180  }
0xb7: {  	[spmem:s2] =	stream.indirect.scatter.add.f32 [tilespmem:s7], [sflag:$0x1], $0x80, s16, s10, $0xb8;
	[tilespmem:$0x18400] =	vst v63  }
0xb8: {  	_ =	swait.ge [sflag:s4], $0x3E80  }
0xb9: {  	[sflag:s4] =	ssyncset.done $0x0  }
0xba: {  	[sflag:s4] =	ssyncadd.s32 $0xFFFFC180  }
0xbb: {  	[spmem:s2] =	stream.indirect.scatter.add.f32 [tilespmem:s7], [sflag:$0x1], $0x80, s17, s10, $0xb8;
	[tilespmem:$0x18400] =	vst v63  }
0xbc: {  	_ =	swait.ge [sflag:s4], $0x3E80  }
0xbd: {  	[sflag:s4] =	ssyncset.done $0x0  }
0xbe: {  	[sflag:s4] =	ssyncadd.s32 $0xFFFFC180  }
0xbf: {  	[spmem:s2] =	stream.indirect.scatter.add.f32 [tilespmem:s7], [sflag:$0x1], $0x80, s18, s10, $0xb8;
	[tilespmem:$0x18400] =	vst v63  }
0xc0: {  	_ =	swait.ge [sflag:s4], $0x3E80  }
0xc1: {  	[sflag:s4] =	ssyncset.done $0x0  }
0xc2: {  	[sflag:s4] =	ssyncadd.s32 $0xFFFFC180  }
0xc3: {  	[spmem:s2] =	stream.indirect.scatter.add.f32 [tilespmem:s7], [sflag:$0x1], $0x80, s19, s10, $0xb8;
	[tilespmem:$0x18400] =	vst v63  }
0xc4: {  	_ =	swait.ge [sflag:s4], $0x3E80  }
0xc5: {  	[sflag:s4] =	ssyncset.done $0x0  }
0xc6: {  	[sflag:s4] =	ssyncadd.s32 $0xFFFFC180  }
0xc7: {  	[spmem:s2] =	stream.indirect.scatter.add.f32 [tilespmem:s7], [sflag:$0x1], $0x80, s20, s10, $0xb8;
	[tilespmem:$0x18400] =	vst v63  }
0xc8: {  	_ =	swait.ge [sflag:s4], $0x3E80  }
0xc9: {  	[sflag:s4] =	ssyncset.done $0x0  }
0xca: {  	[sflag:s4] =	ssyncadd.s32 $0xFFFFC180  }
0xcb: {  	[spmem:s2] =	stream.indirect.scatter.add.f32 [tilespmem:s7], [sflag:$0x1], $0x80, s21, s10, $0xb8;
	[tilespmem:$0x18400] =	vst v63  }
0xcc: {  	_ =	swait.ge [sflag:s4], $0x3E80  }
0xcd: {  	[sflag:s4] =	ssyncset.done $0x0  }
0xce: {  	[sflag:s4] =	ssyncadd.s32 $0xFFFFC180  }
0xcf: {  	[spmem:s2] =	stream.indirect.scatter.add.f32 [tilespmem:s7], [sflag:$0x1], $0x80, s22, s10, $0xb8;
	[tilespmem:$0x18400] =	vst v63  }
0xd0: {  	_ =	swait.ge [sflag:s4], $0x3E80  }
0xd1: {  	[sflag:s4] =	ssyncset.done $0x0  }
0xd2: {  	[sflag:s4] =	ssyncadd.s32 $0xFFFFC180  }
0xd3: {  	[spmem:s2] =	stream.indirect.scatter.add.f32 [tilespmem:s7], [sflag:$0x1], $0x80, s23, s10, $0xb8;
	[tilespmem:$0x18400] =	vst v63  }
0xd4: {  	_ =	swait.ge [sflag:s4], $0x3E80  }
0xd5: {  	[sflag:s4] =	ssyncset.done $0x0  }
0xd6: {  	[sflag:s4] =	ssyncadd.s32 $0xFFFFC180  }
0xd7: {  	[spmem:s2] =	stream.indirect.scatter.add.f32 [tilespmem:s7], [sflag:$0x1], $0x80, s24, s10, $0xb8;
	[tilespmem:$0x18400] =	vst v63  }
0xd8: {  	_ =	swait.ge [sflag:s4], $0x3E80  }
0xd9: {  	[sflag:s4] =	ssyncset.done $0x0  }
0xda: {  	[sflag:s4] =	ssyncadd.s32 $0xFFFFC180  }
0xdb: {  	[spmem:s2] =	stream.indirect.scatter.add.f32 [tilespmem:s7], [sflag:$0x1], $0x80, s25, s10, $0xb8;
	[tilespmem:$0x18400] =	vst v63  }
0xdc: {  	_ =	swait.ge [sflag:s4], $0x3E80  }
0xdd: {  	[sflag:s4] =	ssyncset.done $0x0  }
0xde: {  	s29 =	sadd.s32 $0x300, s8;
	[sflag:s4] =	ssyncadd.s32 $0xFFFFC180  }
0xdf: {  	[tilespmem:s9], [sflag:$0x1] =	stream.linear.gather [hbm4b:s29+s3], $0x800, $0x38;
	[tilespmem:$0x18400] =	vst v63  }
0xe0: {  	_ =	swait.ge [sflag:s4], $0x800  }
0xe1: {  	[sflag:s4] =	ssyncset.done $0x0  }
0xe2: {  	[sflag:s4] =	ssyncadd.s32 $0xFFFFF800  }
0xe3: {  	[spmem:s2] =	stream.indirect.scatter.add.f32 [tilespmem:s7], [sflag:$0x1], $0x80, s9, s10, $0xb8;
	[tilespmem:$0x18400] =	vst v63  }
0xe4: {  	_ =	swait.ge [sflag:s4], $0x3E80  }
0xe5: {  	[sflag:s4] =	ssyncset.done $0x0  }
0xe6: {  	[sflag:s4] =	ssyncadd.s32 $0xFFFFC180  }
0xe7: {  	[spmem:s2] =	stream.indirect.scatter.add.f32 [tilespmem:s7], [sflag:$0x1], $0x80, s11, s10, $0xb8;
	[tilespmem:$0x18400] =	vst v63  }
0xe8: {  	_ =	swait.ge [sflag:s4], $0x3E80  }
0xe9: {  	[sflag:s4] =	ssyncset.done $0x0  }
0xea: {  	[sflag:s4] =	ssyncadd.s32 $0xFFFFC180  }
0xeb: {  	[spmem:s2] =	stream.indirect.scatter.add.f32 [tilespmem:s7], [sflag:$0x1], $0x80, s12, s10, $0xb8;
	[tilespmem:$0x18400] =	vst v63  }
0xec: {  	_ =	swait.ge [sflag:s4], $0x3E80  }
0xed: {  	[sflag:s4] =	ssyncset.done $0x0  }
0xee: {  	[sflag:s4] =	ssyncadd.s32 $0xFFFFC180  }
0xef: {  	[spmem:s2] =	stream.indirect.scatter.add.f32 [tilespmem:s7], [sflag:$0x1], $0x80, s13, s10, $0xb8;
	[tilespmem:$0x18400] =	vst v63  }
0xf0: {  	_ =	swait.ge [sflag:s4], $0x3E80  }
0xf1: {  	[sflag:s4] =	ssyncset.done $0x0  }
0xf2: {  	[sflag:s4] =	ssyncadd.s32 $0xFFFFC180  }
0xf3: {  	[spmem:s2] =	stream.indirect.scatter.add.f32 [tilespmem:s7], [sflag:$0x1], $0x80, s14, s10, $0xb8;
	[tilespmem:$0x18400] =	vst v63  }
0xf4: {  	_ =	swait.ge [sflag:s4], $0x3E80  }
0xf5: {  	[sflag:s4] =	ssyncset.done $0x0  }
0xf6: {  	[sflag:s4] =	ssyncadd.s32 $0xFFFFC180  }
0xf7: {  	[spmem:s2] =	stream.indirect.scatter.add.f32 [tilespmem:s7], [sflag:$0x1], $0x80, s15, s10, $0xb8;
	[tilespmem:$0x18400] =	vst v63  }
0xf8: {  	_ =	swait.ge [sflag:s4], $0x3E80  }
0xf9: {  	[sflag:s4] =	ssyncset.done $0x0  }
0xfa: {  	[sflag:s4] =	ssyncadd.s32 $0xFFFFC180  }
0xfb: {  	[spmem:s2] =	stream.indirect.scatter.add.f32 [tilespmem:s7], [sflag:$0x1], $0x80, s16, s10, $0xb8;
	[tilespmem:$0x18400] =	vst v63  }
0xfc: {  	_ =	swait.ge [sflag:s4], $0x3E80  }
0xfd: {  	[sflag:s4] =	ssyncset.done $0x0  }
0xfe: {  	[sflag:s4] =	ssyncadd.s32 $0xFFFFC180  }
0xff: {  	[spmem:s2] =	stream.indirect.scatter.add.f32 [tilespmem:s7], [sflag:$0x1], $0x80, s17, s10, $0xb8;
	[tilespmem:$0x18400] =	vst v63  }
0x100: {  	_ =	swait.ge [sflag:s4], $0x3E80  }
0x101: {  	[sflag:s4] =	ssyncset.done $0x0  }
0x102: {  	[sflag:s4] =	ssyncadd.s32 $0xFFFFC180  }
0x103: {  	[spmem:s2] =	stream.indirect.scatter.add.f32 [tilespmem:s7], [sflag:$0x1], $0x80, s18, s10, $0xb8;
	[tilespmem:$0x18400] =	vst v63  }
0x104: {  	_ =	swait.ge [sflag:s4], $0x3E80  }
0x105: {  	[sflag:s4] =	ssyncset.done $0x0  }
0x106: {  	[sflag:s4] =	ssyncadd.s32 $0xFFFFC180  }
0x107: {  	[spmem:s2] =	stream.indirect.scatter.add.f32 [tilespmem:s7], [sflag:$0x1], $0x80, s19, s10, $0xb8;
	[tilespmem:$0x18400] =	vst v63  }
0x108: {  	_ =	swait.ge [sflag:s4], $0x3E80  }
0x109: {  	[sflag:s4] =	ssyncset.done $0x0  }
0x10a: {  	[sflag:s4] =	ssyncadd.s32 $0xFFFFC180  }
0x10b: {  	[spmem:s2] =	stream.indirect.scatter.add.f32 [tilespmem:s7], [sflag:$0x1], $0x80, s20, s10, $0xb8;
	[tilespmem:$0x18400] =	vst v63  }
0x10c: {  	_ =	swait.ge [sflag:s4], $0x3E80  }
0x10d: {  	[sflag:s4] =	ssyncset.done $0x0  }
0x10e: {  	[sflag:s4] =	ssyncadd.s32 $0xFFFFC180  }
0x10f: {  	[spmem:s2] =	stream.indirect.scatter.add.f32 [tilespmem:s7], [sflag:$0x1], $0x80, s21, s10, $0xb8;
	[tilespmem:$0x18400] =	vst v63  }
0x110: {  	_ =	swait.ge [sflag:s4], $0x3E80  }
0x111: {  	[sflag:s4] =	ssyncset.done $0x0  }
0x112: {  	[sflag:s4] =	ssyncadd.s32 $0xFFFFC180  }
0x113: {  	[spmem:s2] =	stream.indirect.scatter.add.f32 [tilespmem:s7], [sflag:$0x1], $0x80, s22, s10, $0xb8;
	[tilespmem:$0x18400] =	vst v63  }
0x114: {  	_ =	swait.ge [sflag:s4], $0x3E80  }
0x115: {  	[sflag:s4] =	ssyncset.done $0x0  }
0x116: {  	[sflag:s4] =	ssyncadd.s32 $0xFFFFC180  }
0x117: {  	[spmem:s2] =	stream.indirect.scatter.add.f32 [tilespmem:s7], [sflag:$0x1], $0x80, s23, s10, $0xb8;
	[tilespmem:$0x18400] =	vst v63  }
0x118: {  	_ =	swait.ge [sflag:s4], $0x3E80  }
0x119: {  	[sflag:s4] =	ssyncset.done $0x0  }
0x11a: {  	[sflag:s4] =	ssyncadd.s32 $0xFFFFC180  }
0x11b: {  	[spmem:s2] =	stream.indirect.scatter.add.f32 [tilespmem:s7], [sflag:$0x1], $0x80, s24, s10, $0xb8;
	[tilespmem:$0x18400] =	vst v63  }
0x11c: {  	_ =	swait.ge [sflag:s4], $0x3E80  }
0x11d: {  	[sflag:s4] =	ssyncset.done $0x0  }
0x11e: {  	[sflag:s4] =	ssyncadd.s32 $0xFFFFC180  }
0x11f: {  	[spmem:s2] =	stream.indirect.scatter.add.f32 [tilespmem:s7], [sflag:$0x1], $0x80, s25, s10, $0xb8;
	[tilespmem:$0x18400] =	vst v63  }
0x120: {  	_ =	swait.ge [sflag:s4], $0x3E80  }
0x121: {  	[sflag:s4] =	ssyncset.done $0x0  }
0x122: {  	s30 =	sadd.s32 $0x400, s8;
	[sflag:s4] =	ssyncadd.s32 $0xFFFFC180  }
0x123: {  	[tilespmem:s9], [sflag:$0x1] =	stream.linear.gather [hbm4b:s30+s3], $0x800, $0x38;
	[tilespmem:$0x18400] =	vst v63  }
0x124: {  	_ =	swait.ge [sflag:s4], $0x800  }
0x125: {  	[sflag:s4] =	ssyncset.done $0x0  }
0x126: {  	[sflag:s4] =	ssyncadd.s32 $0xFFFFF800  }
0x127: {  	[spmem:s2] =	stream.indirect.scatter.add.f32 [tilespmem:s7], [sflag:$0x1], $0x80, s9, s10, $0xb8;
	[tilespmem:$0x18400] =	vst v63  }
0x128: {  	_ =	swait.ge [sflag:s4], $0x3E80  }
0x129: {  	[sflag:s4] =	ssyncset.done $0x0  }
0x12a: {  	[sflag:s4] =	ssyncadd.s32 $0xFFFFC180  }
0x12b: {  	[spmem:s2] =	stream.indirect.scatter.add.f32 [tilespmem:s7], [sflag:$0x1], $0x80, s11, s10, $0xb8;
	[tilespmem:$0x18400] =	vst v63  }
0x12c: {  	_ =	swait.ge [sflag:s4], $0x3E80  }
0x12d: {  	[sflag:s4] =	ssyncset.done $0x0  }
0x12e: {  	[sflag:s4] =	ssyncadd.s32 $0xFFFFC180  }
0x12f: {  	[spmem:s2] =	stream.indirect.scatter.add.f32 [tilespmem:s7], [sflag:$0x1], $0x80, s12, s10, $0xb8;
	[tilespmem:$0x18400] =	vst v63  }
0x130: {  	_ =	swait.ge [sflag:s4], $0x3E80  }
0x131: {  	[sflag:s4] =	ssyncset.done $0x0  }
0x132: {  	[sflag:s4] =	ssyncadd.s32 $0xFFFFC180  }
0x133: {  	[spmem:s2] =	stream.indirect.scatter.add.f32 [tilespmem:s7], [sflag:$0x1], $0x80, s13, s10, $0xb8;
	[tilespmem:$0x18400] =	vst v63  }
0x134: {  	_ =	swait.ge [sflag:s4], $0x3E80  }
0x135: {  	[sflag:s4] =	ssyncset.done $0x0  }
0x136: {  	[sflag:s4] =	ssyncadd.s32 $0xFFFFC180  }
0x137: {  	[spmem:s2] =	stream.indirect.scatter.add.f32 [tilespmem:s7], [sflag:$0x1], $0x80, s14, s10, $0xb8;
	[tilespmem:$0x18400] =	vst v63  }
0x138: {  	_ =	swait.ge [sflag:s4], $0x3E80  }
0x139: {  	[sflag:s4] =	ssyncset.done $0x0  }
0x13a: {  	[sflag:s4] =	ssyncadd.s32 $0xFFFFC180  }
0x13b: {  	[spmem:s2] =	stream.indirect.scatter.add.f32 [tilespmem:s7], [sflag:$0x1], $0x80, s15, s10, $0xb8;
	[tilespmem:$0x18400] =	vst v63  }
0x13c: {  	_ =	swait.ge [sflag:s4], $0x3E80  }
0x13d: {  	[sflag:s4] =	ssyncset.done $0x0  }
0x13e: {  	[sflag:s4] =	ssyncadd.s32 $0xFFFFC180  }
0x13f: {  	[spmem:s2] =	stream.indirect.scatter.add.f32 [tilespmem:s7], [sflag:$0x1], $0x80, s16, s10, $0xb8;
	[tilespmem:$0x18400] =	vst v63  }
0x140: {  	_ =	swait.ge [sflag:s4], $0x3E80  }
0x141: {  	[sflag:s4] =	ssyncset.done $0x0  }
0x142: {  	[sflag:s4] =	ssyncadd.s32 $0xFFFFC180  }
0x143: {  	[spmem:s2] =	stream.indirect.scatter.add.f32 [tilespmem:s7], [sflag:$0x1], $0x80, s17, s10, $0xb8;
	[tilespmem:$0x18400] =	vst v63  }
0x144: {  	_ =	swait.ge [sflag:s4], $0x3E80  }
0x145: {  	[sflag:s4] =	ssyncset.done $0x0  }
0x146: {  	[sflag:s4] =	ssyncadd.s32 $0xFFFFC180  }
0x147: {  	[spmem:s2] =	stream.indirect.scatter.add.f32 [tilespmem:s7], [sflag:$0x1], $0x80, s18, s10, $0xb8;
	[tilespmem:$0x18400] =	vst v63  }
0x148: {  	_ =	swait.ge [sflag:s4], $0x3E80  }
0x149: {  	[sflag:s4] =	ssyncset.done $0x0  }
0x14a: {  	[sflag:s4] =	ssyncadd.s32 $0xFFFFC180  }
0x14b: {  	[spmem:s2] =	stream.indirect.scatter.add.f32 [tilespmem:s7], [sflag:$0x1], $0x80, s19, s10, $0xb8;
	[tilespmem:$0x18400] =	vst v63  }
0x14c: {  	_ =	swait.ge [sflag:s4], $0x3E80  }
0x14d: {  	[sflag:s4] =	ssyncset.done $0x0  }
0x14e: {  	[sflag:s4] =	ssyncadd.s32 $0xFFFFC180  }
0x14f: {  	[spmem:s2] =	stream.indirect.scatter.add.f32 [tilespmem:s7], [sflag:$0x1], $0x80, s20, s10, $0xb8;
	[tilespmem:$0x18400] =	vst v63  }
0x150: {  	_ =	swait.ge [sflag:s4], $0x3E80  }
0x151: {  	[sflag:s4] =	ssyncset.done $0x0  }
0x152: {  	[sflag:s4] =	ssyncadd.s32 $0xFFFFC180  }
0x153: {  	[spmem:s2] =	stream.indirect.scatter.add.f32 [tilespmem:s7], [sflag:$0x1], $0x80, s21, s10, $0xb8;
	[tilespmem:$0x18400] =	vst v63  }
0x154: {  	_ =	swait.ge [sflag:s4], $0x3E80  }
0x155: {  	[sflag:s4] =	ssyncset.done $0x0  }
0x156: {  	[sflag:s4] =	ssyncadd.s32 $0xFFFFC180  }
0x157: {  	[spmem:s2] =	stream.indirect.scatter.add.f32 [tilespmem:s7], [sflag:$0x1], $0x80, s22, s10, $0xb8;
	[tilespmem:$0x18400] =	vst v63  }
0x158: {  	_ =	swait.ge [sflag:s4], $0x3E80  }
0x159: {  	[sflag:s4] =	ssyncset.done $0x0  }
0x15a: {  	[sflag:s4] =	ssyncadd.s32 $0xFFFFC180  }
0x15b: {  	[spmem:s2] =	stream.indirect.scatter.add.f32 [tilespmem:s7], [sflag:$0x1], $0x80, s23, s10, $0xb8;
	[tilespmem:$0x18400] =	vst v63  }
0x15c: {  	_ =	swait.ge [sflag:s4], $0x3E80  }
0x15d: {  	s1 =	smul.u32 $0x13C00, s1;
	[sflag:s4] =	ssyncset.done $0x0  }
0x15e: {  	s0 =	smul.u32 $0x13C000, s31;
	[sflag:s4] =	ssyncadd.s32 $0xFFFFC180  }
0x15f: {  	[spmem:s2] =	stream.indirect.scatter.add.f32 [tilespmem:s7], [sflag:$0x1], $0x80, s24, s10, $0xb8;
	[tilespmem:$0x18400] =	vst v63  }
0x160: {  	s31 =	ssub.s32 $0x2, s31;
	_ =	swait.ge [sflag:s4], $0x3E80  }
0x161: {  	s0 =	sadd.s32 s1, s0;
	s1 =	sshrl.u32 s31, $0x1;
	[sflag:s4] =	ssyncset.done $0x0  }
0x162: {  	s1 =	ssub.s32 s31, s1;
	[sflag:s4] =	ssyncadd.s32 $0xFFFFC180  }
0x163: {  	[spmem:s2] =	stream.indirect.scatter.add.f32 [tilespmem:s7], [sflag:$0x1], $0x80, s25, s10, $0xb8;
	[tilespmem:$0x18400] =	vst v63  }
0x164: {  	s1 =	smax.u32 s1, $0x1;
	_ =	swait.ge [sflag:s4], $0x3E80  }
0x165: {  	p0 =	sne.s32 s1, $0x1;
	[sflag:s4] =	ssyncset.done $0x0  }
.Ltmp0:
0x166: {  	[sflag:s4] =	ssyncadd.s32 $0xFFFFC180;
	(pc) =	sbr.rel @!p0 .LBB2_2-.Ltmp0, $4  }
0x167: {  	s0 =	sshrl.u32 s0, $0x3;
	s31 =	rddreg [dreg:$0x3]  }
0x168: {  	[bflag:$0x0] =	sbarrier.arrive $0xFFFF;
	s31 =	sadd.s32 s31, s0  }
0x169: {  	[hbm:s31], [sflag:s5] =	dma.local [spmem:s6], $0x2780  }
0x16a: {  	s0 =	sadd.s32 $0xFFFFFFFF, s1;
	_ =	swait.ge [sflag:s4], $0x2780  }
.LBB2_1:
0x16b: {  	[sflag:s4] =	ssyncset.done $0x0  }
0x16c: {  	s1 =	rddreg [dreg:$0x6];
	[sflag:s4] =	ssyncadd.s32 $0xFFFFD880  }
0x16d: {  	[spmem:s6], [sflag:s5] =	dma.local [hbm:s1], $0x2780  }
0x16e: {  	_ =	swait.ge [sflag:s4], $0x2780  }
0x16f: {  	[sflag:s4] =	ssyncset.done $0x0  }
0x170: {  	s1 =	rddreg [dreg:$0x7];
	[sflag:s4] =	ssyncadd.s32 $0xFFFFD880  }
0x171: {  	[tilespmem:s7], [sflag:$0x1] =	stream.linear.gather [hbm4b:s1+s3], $0x3E80, $0x38;
	[tilespmem:$0x18400] =	vst v63  }
0x172: {  	_ =	swait.ge [sflag:s4], $0x3E80  }
0x173: {  	[sflag:s4] =	ssyncset.done $0x0  }
0x174: {  	[sflag:s4] =	ssyncadd.s32 $0xFFFFC180  }
0x175: {  	[bflag:$0x0] =	sbarrier.arrive $0xFFFF  }
0x176: {  	[tilespmem:s9], [sflag:$0x1] =	stream.linear.gather [hbm4b:s8+s3], $0x800, $0x38;
	[tilespmem:$0x18400] =	vst v63  }
0x177: {  	_ =	swait.ge [sflag:s4], $0x800  }
0x178: {  	[sflag:s4] =	ssyncset.done $0x0  }
0x179: {  	[sflag:s4] =	ssyncadd.s32 $0xFFFFF800  }
0x17a: {  	[spmem:s2] =	stream.indirect.scatter.add.f32 [tilespmem:s7], [sflag:$0x1], $0x80, s9, s10, $0xb8;
	[tilespmem:$0x18400] =	vst v63  }
0x17b: {  	_ =	swait.ge [sflag:s4], $0x3E80  }
0x17c: {  	[sflag:s4] =	ssyncset.done $0x0  }
0x17d: {  	[sflag:s4] =	ssyncadd.s32 $0xFFFFC180  }
0x17e: {  	[spmem:s2] =	stream.indirect.scatter.add.f32 [tilespmem:s7], [sflag:$0x1], $0x80, s11, s10, $0xb8;
	[tilespmem:$0x18400] =	vst v63  }
0x17f: {  	_ =	swait.ge [sflag:s4], $0x3E80  }
0x180: {  	[sflag:s4] =	ssyncset.done $0x0  }
0x181: {  	[sflag:s4] =	ssyncadd.s32 $0xFFFFC180  }
0x182: {  	[spmem:s2] =	stream.indirect.scatter.add.f32 [tilespmem:s7], [sflag:$0x1], $0x80, s12, s10, $0xb8;
	[tilespmem:$0x18400] =	vst v63  }
0x183: {  	_ =	swait.ge [sflag:s4], $0x3E80  }
0x184: {  	[sflag:s4] =	ssyncset.done $0x0  }
0x185: {  	[sflag:s4] =	ssyncadd.s32 $0xFFFFC180  }
0x186: {  	[spmem:s2] =	stream.indirect.scatter.add.f32 [tilespmem:s7], [sflag:$0x1], $0x80, s13, s10, $0xb8;
	[tilespmem:$0x18400] =	vst v63  }
0x187: {  	_ =	swait.ge [sflag:s4], $0x3E80  }
0x188: {  	[sflag:s4] =	ssyncset.done $0x0  }
0x189: {  	[sflag:s4] =	ssyncadd.s32 $0xFFFFC180  }
0x18a: {  	[spmem:s2] =	stream.indirect.scatter.add.f32 [tilespmem:s7], [sflag:$0x1], $0x80, s14, s10, $0xb8;
	[tilespmem:$0x18400] =	vst v63  }
0x18b: {  	_ =	swait.ge [sflag:s4], $0x3E80  }
0x18c: {  	[sflag:s4] =	ssyncset.done $0x0  }
0x18d: {  	[sflag:s4] =	ssyncadd.s32 $0xFFFFC180  }
0x18e: {  	[spmem:s2] =	stream.indirect.scatter.add.f32 [tilespmem:s7], [sflag:$0x1], $0x80, s15, s10, $0xb8;
	[tilespmem:$0x18400] =	vst v63  }
0x18f: {  	_ =	swait.ge [sflag:s4], $0x3E80  }
0x190: {  	[sflag:s4] =	ssyncset.done $0x0  }
0x191: {  	[sflag:s4] =	ssyncadd.s32 $0xFFFFC180  }
0x192: {  	[spmem:s2] =	stream.indirect.scatter.add.f32 [tilespmem:s7], [sflag:$0x1], $0x80, s16, s10, $0xb8;
	[tilespmem:$0x18400] =	vst v63  }
0x193: {  	_ =	swait.ge [sflag:s4], $0x3E80  }
0x194: {  	[sflag:s4] =	ssyncset.done $0x0  }
0x195: {  	[sflag:s4] =	ssyncadd.s32 $0xFFFFC180  }
0x196: {  	[spmem:s2] =	stream.indirect.scatter.add.f32 [tilespmem:s7], [sflag:$0x1], $0x80, s17, s10, $0xb8;
	[tilespmem:$0x18400] =	vst v63  }
0x197: {  	_ =	swait.ge [sflag:s4], $0x3E80  }
0x198: {  	[sflag:s4] =	ssyncset.done $0x0  }
0x199: {  	[sflag:s4] =	ssyncadd.s32 $0xFFFFC180  }
0x19a: {  	[spmem:s2] =	stream.indirect.scatter.add.f32 [tilespmem:s7], [sflag:$0x1], $0x80, s18, s10, $0xb8;
	[tilespmem:$0x18400] =	vst v63  }
0x19b: {  	_ =	swait.ge [sflag:s4], $0x3E80  }
0x19c: {  	[sflag:s4] =	ssyncset.done $0x0  }
0x19d: {  	[sflag:s4] =	ssyncadd.s32 $0xFFFFC180  }
0x19e: {  	[spmem:s2] =	stream.indirect.scatter.add.f32 [tilespmem:s7], [sflag:$0x1], $0x80, s19, s10, $0xb8;
	[tilespmem:$0x18400] =	vst v63  }
0x19f: {  	_ =	swait.ge [sflag:s4], $0x3E80  }
0x1a0: {  	[sflag:s4] =	ssyncset.done $0x0  }
0x1a1: {  	[sflag:s4] =	ssyncadd.s32 $0xFFFFC180  }
0x1a2: {  	[spmem:s2] =	stream.indirect.scatter.add.f32 [tilespmem:s7], [sflag:$0x1], $0x80, s20, s10, $0xb8;
	[tilespmem:$0x18400] =	vst v63  }
0x1a3: {  	_ =	swait.ge [sflag:s4], $0x3E80  }
0x1a4: {  	[sflag:s4] =	ssyncset.done $0x0  }
0x1a5: {  	[sflag:s4] =	ssyncadd.s32 $0xFFFFC180  }
0x1a6: {  	[spmem:s2] =	stream.indirect.scatter.add.f32 [tilespmem:s7], [sflag:$0x1], $0x80, s21, s10, $0xb8;
	[tilespmem:$0x18400] =	vst v63  }
0x1a7: {  	_ =	swait.ge [sflag:s4], $0x3E80  }
0x1a8: {  	[sflag:s4] =	ssyncset.done $0x0  }
0x1a9: {  	[sflag:s4] =	ssyncadd.s32 $0xFFFFC180  }
0x1aa: {  	[spmem:s2] =	stream.indirect.scatter.add.f32 [tilespmem:s7], [sflag:$0x1], $0x80, s22, s10, $0xb8;
	[tilespmem:$0x18400] =	vst v63  }
0x1ab: {  	_ =	swait.ge [sflag:s4], $0x3E80  }
0x1ac: {  	[sflag:s4] =	ssyncset.done $0x0  }
0x1ad: {  	[sflag:s4] =	ssyncadd.s32 $0xFFFFC180  }
0x1ae: {  	[spmem:s2] =	stream.indirect.scatter.add.f32 [tilespmem:s7], [sflag:$0x1], $0x80, s23, s10, $0xb8;
	[tilespmem:$0x18400] =	vst v63  }
0x1af: {  	_ =	swait.ge [sflag:s4], $0x3E80  }
0x1b0: {  	[sflag:s4] =	ssyncset.done $0x0  }
0x1b1: {  	[sflag:s4] =	ssyncadd.s32 $0xFFFFC180  }
0x1b2: {  	[spmem:s2] =	stream.indirect.scatter.add.f32 [tilespmem:s7], [sflag:$0x1], $0x80, s24, s10, $0xb8;
	[tilespmem:$0x18400] =	vst v63  }
0x1b3: {  	_ =	swait.ge [sflag:s4], $0x3E80  }
0x1b4: {  	[sflag:s4] =	ssyncset.done $0x0  }
0x1b5: {  	[sflag:s4] =	ssyncadd.s32 $0xFFFFC180  }
0x1b6: {  	[spmem:s2] =	stream.indirect.scatter.add.f32 [tilespmem:s7], [sflag:$0x1], $0x80, s25, s10, $0xb8;
	[tilespmem:$0x18400] =	vst v63  }
0x1b7: {  	_ =	swait.ge [sflag:s4], $0x3E80  }
0x1b8: {  	[sflag:s4] =	ssyncset.done $0x0  }
0x1b9: {  	[sflag:s4] =	ssyncadd.s32 $0xFFFFC180  }
0x1ba: {  	[tilespmem:s9], [sflag:$0x1] =	stream.linear.gather [hbm4b:s26+s3], $0x800, $0x38;
	[tilespmem:$0x18400] =	vst v63  }
0x1bb: {  	_ =	swait.ge [sflag:s4], $0x800  }
0x1bc: {  	[sflag:s4] =	ssyncset.done $0x0  }
0x1bd: {  	[sflag:s4] =	ssyncadd.s32 $0xFFFFF800  }
0x1be: {  	[spmem:s2] =	stream.indirect.scatter.add.f32 [tilespmem:s7], [sflag:$0x1], $0x80, s9, s10, $0xb8;
	[tilespmem:$0x18400] =	vst v63  }
0x1bf: {  	_ =	swait.ge [sflag:s4], $0x3E80  }
0x1c0: {  	[sflag:s4] =	ssyncset.done $0x0  }
0x1c1: {  	[sflag:s4] =	ssyncadd.s32 $0xFFFFC180  }
0x1c2: {  	[spmem:s2] =	stream.indirect.scatter.add.f32 [tilespmem:s7], [sflag:$0x1], $0x80, s11, s10, $0xb8;
	[tilespmem:$0x18400] =	vst v63  }
0x1c3: {  	_ =	swait.ge [sflag:s4], $0x3E80  }
0x1c4: {  	[sflag:s4] =	ssyncset.done $0x0  }
0x1c5: {  	[sflag:s4] =	ssyncadd.s32 $0xFFFFC180  }
0x1c6: {  	[spmem:s2] =	stream.indirect.scatter.add.f32 [tilespmem:s7], [sflag:$0x1], $0x80, s12, s10, $0xb8;
	[tilespmem:$0x18400] =	vst v63  }
0x1c7: {  	_ =	swait.ge [sflag:s4], $0x3E80  }
0x1c8: {  	[sflag:s4] =	ssyncset.done $0x0  }
0x1c9: {  	[sflag:s4] =	ssyncadd.s32 $0xFFFFC180  }
0x1ca: {  	[spmem:s2] =	stream.indirect.scatter.add.f32 [tilespmem:s7], [sflag:$0x1], $0x80, s13, s10, $0xb8;
	[tilespmem:$0x18400] =	vst v63  }
0x1cb: {  	_ =	swait.ge [sflag:s4], $0x3E80  }
0x1cc: {  	[sflag:s4] =	ssyncset.done $0x0  }
0x1cd: {  	[sflag:s4] =	ssyncadd.s32 $0xFFFFC180  }
0x1ce: {  	[spmem:s2] =	stream.indirect.scatter.add.f32 [tilespmem:s7], [sflag:$0x1], $0x80, s14, s10, $0xb8;
	[tilespmem:$0x18400] =	vst v63  }
0x1cf: {  	_ =	swait.ge [sflag:s4], $0x3E80  }
0x1d0: {  	[sflag:s4] =	ssyncset.done $0x0  }
0x1d1: {  	[sflag:s4] =	ssyncadd.s32 $0xFFFFC180  }
0x1d2: {  	[spmem:s2] =	stream.indirect.scatter.add.f32 [tilespmem:s7], [sflag:$0x1], $0x80, s15, s10, $0xb8;
	[tilespmem:$0x18400] =	vst v63  }
0x1d3: {  	_ =	swait.ge [sflag:s4], $0x3E80  }
0x1d4: {  	[sflag:s4] =	ssyncset.done $0x0  }
0x1d5: {  	[sflag:s4] =	ssyncadd.s32 $0xFFFFC180  }
0x1d6: {  	[spmem:s2] =	stream.indirect.scatter.add.f32 [tilespmem:s7], [sflag:$0x1], $0x80, s16, s10, $0xb8;
	[tilespmem:$0x18400] =	vst v63  }
0x1d7: {  	_ =	swait.ge [sflag:s4], $0x3E80  }
0x1d8: {  	[sflag:s4] =	ssyncset.done $0x0  }
0x1d9: {  	[sflag:s4] =	ssyncadd.s32 $0xFFFFC180  }
0x1da: {  	[spmem:s2] =	stream.indirect.scatter.add.f32 [tilespmem:s7], [sflag:$0x1], $0x80, s17, s10, $0xb8;
	[tilespmem:$0x18400] =	vst v63  }
0x1db: {  	_ =	swait.ge [sflag:s4], $0x3E80  }
0x1dc: {  	[sflag:s4] =	ssyncset.done $0x0  }
0x1dd: {  	[sflag:s4] =	ssyncadd.s32 $0xFFFFC180  }
0x1de: {  	[spmem:s2] =	stream.indirect.scatter.add.f32 [tilespmem:s7], [sflag:$0x1], $0x80, s18, s10, $0xb8;
	[tilespmem:$0x18400] =	vst v63  }
0x1df: {  	_ =	swait.ge [sflag:s4], $0x3E80  }
0x1e0: {  	[sflag:s4] =	ssyncset.done $0x0  }
0x1e1: {  	[sflag:s4] =	ssyncadd.s32 $0xFFFFC180  }
0x1e2: {  	[spmem:s2] =	stream.indirect.scatter.add.f32 [tilespmem:s7], [sflag:$0x1], $0x80, s19, s10, $0xb8;
	[tilespmem:$0x18400] =	vst v63  }
0x1e3: {  	_ =	swait.ge [sflag:s4], $0x3E80  }
0x1e4: {  	[sflag:s4] =	ssyncset.done $0x0  }
0x1e5: {  	[sflag:s4] =	ssyncadd.s32 $0xFFFFC180  }
0x1e6: {  	[spmem:s2] =	stream.indirect.scatter.add.f32 [tilespmem:s7], [sflag:$0x1], $0x80, s20, s10, $0xb8;
	[tilespmem:$0x18400] =	vst v63  }
0x1e7: {  	_ =	swait.ge [sflag:s4], $0x3E80  }
0x1e8: {  	[sflag:s4] =	ssyncset.done $0x0  }
0x1e9: {  	[sflag:s4] =	ssyncadd.s32 $0xFFFFC180  }
0x1ea: {  	[spmem:s2] =	stream.indirect.scatter.add.f32 [tilespmem:s7], [sflag:$0x1], $0x80, s21, s10, $0xb8;
	[tilespmem:$0x18400] =	vst v63  }
0x1eb: {  	_ =	swait.ge [sflag:s4], $0x3E80  }
0x1ec: {  	[sflag:s4] =	ssyncset.done $0x0  }
0x1ed: {  	[sflag:s4] =	ssyncadd.s32 $0xFFFFC180  }
0x1ee: {  	[spmem:s2] =	stream.indirect.scatter.add.f32 [tilespmem:s7], [sflag:$0x1], $0x80, s22, s10, $0xb8;
	[tilespmem:$0x18400] =	vst v63  }
0x1ef: {  	_ =	swait.ge [sflag:s4], $0x3E80  }
0x1f0: {  	[sflag:s4] =	ssyncset.done $0x0  }
0x1f1: {  	[sflag:s4] =	ssyncadd.s32 $0xFFFFC180  }
0x1f2: {  	[spmem:s2] =	stream.indirect.scatter.add.f32 [tilespmem:s7], [sflag:$0x1], $0x80, s23, s10, $0xb8;
	[tilespmem:$0x18400] =	vst v63  }
0x1f3: {  	_ =	swait.ge [sflag:s4], $0x3E80  }
0x1f4: {  	[sflag:s4] =	ssyncset.done $0x0  }
0x1f5: {  	[sflag:s4] =	ssyncadd.s32 $0xFFFFC180  }
0x1f6: {  	[spmem:s2] =	stream.indirect.scatter.add.f32 [tilespmem:s7], [sflag:$0x1], $0x80, s24, s10, $0xb8;
	[tilespmem:$0x18400] =	vst v63  }
0x1f7: {  	_ =	swait.ge [sflag:s4], $0x3E80  }
0x1f8: {  	[sflag:s4] =	ssyncset.done $0x0  }
0x1f9: {  	[sflag:s4] =	ssyncadd.s32 $0xFFFFC180  }
0x1fa: {  	[spmem:s2] =	stream.indirect.scatter.add.f32 [tilespmem:s7], [sflag:$0x1], $0x80, s25, s10, $0xb8;
	[tilespmem:$0x18400] =	vst v63  }
0x1fb: {  	_ =	swait.ge [sflag:s4], $0x3E80  }
0x1fc: {  	[sflag:s4] =	ssyncset.done $0x0  }
0x1fd: {  	[sflag:s4] =	ssyncadd.s32 $0xFFFFC180  }
0x1fe: {  	[tilespmem:s9], [sflag:$0x1] =	stream.linear.gather [hbm4b:s28+s3], $0x800, $0x38;
	[tilespmem:$0x18400] =	vst v63  }
0x1ff: {  	_ =	swait.ge [sflag:s4], $0x800  }
0x200: {  	[sflag:s4] =	ssyncset.done $0x0  }
0x201: {  	[sflag:s4] =	ssyncadd.s32 $0xFFFFF800  }
0x202: {  	[spmem:s2] =	stream.indirect.scatter.add.f32 [tilespmem:s7], [sflag:$0x1], $0x80, s9, s10, $0xb8;
	[tilespmem:$0x18400] =	vst v63  }
0x203: {  	_ =	swait.ge [sflag:s4], $0x3E80  }
0x204: {  	[sflag:s4] =	ssyncset.done $0x0  }
0x205: {  	[sflag:s4] =	ssyncadd.s32 $0xFFFFC180  }
0x206: {  	[spmem:s2] =	stream.indirect.scatter.add.f32 [tilespmem:s7], [sflag:$0x1], $0x80, s11, s10, $0xb8;
	[tilespmem:$0x18400] =	vst v63  }
0x207: {  	_ =	swait.ge [sflag:s4], $0x3E80  }
0x208: {  	[sflag:s4] =	ssyncset.done $0x0  }
0x209: {  	[sflag:s4] =	ssyncadd.s32 $0xFFFFC180  }
0x20a: {  	[spmem:s2] =	stream.indirect.scatter.add.f32 [tilespmem:s7], [sflag:$0x1], $0x80, s12, s10, $0xb8;
	[tilespmem:$0x18400] =	vst v63  }
0x20b: {  	_ =	swait.ge [sflag:s4], $0x3E80  }
0x20c: {  	[sflag:s4] =	ssyncset.done $0x0  }
0x20d: {  	[sflag:s4] =	ssyncadd.s32 $0xFFFFC180  }
0x20e: {  	[spmem:s2] =	stream.indirect.scatter.add.f32 [tilespmem:s7], [sflag:$0x1], $0x80, s13, s10, $0xb8;
	[tilespmem:$0x18400] =	vst v63  }
0x20f: {  	_ =	swait.ge [sflag:s4], $0x3E80  }
0x210: {  	[sflag:s4] =	ssyncset.done $0x0  }
0x211: {  	[sflag:s4] =	ssyncadd.s32 $0xFFFFC180  }
0x212: {  	[spmem:s2] =	stream.indirect.scatter.add.f32 [tilespmem:s7], [sflag:$0x1], $0x80, s14, s10, $0xb8;
	[tilespmem:$0x18400] =	vst v63  }
0x213: {  	_ =	swait.ge [sflag:s4], $0x3E80  }
0x214: {  	[sflag:s4] =	ssyncset.done $0x0  }
0x215: {  	[sflag:s4] =	ssyncadd.s32 $0xFFFFC180  }
0x216: {  	[spmem:s2] =	stream.indirect.scatter.add.f32 [tilespmem:s7], [sflag:$0x1], $0x80, s15, s10, $0xb8;
	[tilespmem:$0x18400] =	vst v63  }
0x217: {  	_ =	swait.ge [sflag:s4], $0x3E80  }
0x218: {  	[sflag:s4] =	ssyncset.done $0x0  }
0x219: {  	[sflag:s4] =	ssyncadd.s32 $0xFFFFC180  }
0x21a: {  	[spmem:s2] =	stream.indirect.scatter.add.f32 [tilespmem:s7], [sflag:$0x1], $0x80, s16, s10, $0xb8;
	[tilespmem:$0x18400] =	vst v63  }
0x21b: {  	_ =	swait.ge [sflag:s4], $0x3E80  }
0x21c: {  	[sflag:s4] =	ssyncset.done $0x0  }
0x21d: {  	[sflag:s4] =	ssyncadd.s32 $0xFFFFC180  }
0x21e: {  	[spmem:s2] =	stream.indirect.scatter.add.f32 [tilespmem:s7], [sflag:$0x1], $0x80, s17, s10, $0xb8;
	[tilespmem:$0x18400] =	vst v63  }
0x21f: {  	_ =	swait.ge [sflag:s4], $0x3E80  }
0x220: {  	[sflag:s4] =	ssyncset.done $0x0  }
0x221: {  	[sflag:s4] =	ssyncadd.s32 $0xFFFFC180  }
0x222: {  	[spmem:s2] =	stream.indirect.scatter.add.f32 [tilespmem:s7], [sflag:$0x1], $0x80, s18, s10, $0xb8;
	[tilespmem:$0x18400] =	vst v63  }
0x223: {  	_ =	swait.ge [sflag:s4], $0x3E80  }
0x224: {  	[sflag:s4] =	ssyncset.done $0x0  }
0x225: {  	[sflag:s4] =	ssyncadd.s32 $0xFFFFC180  }
0x226: {  	[spmem:s2] =	stream.indirect.scatter.add.f32 [tilespmem:s7], [sflag:$0x1], $0x80, s19, s10, $0xb8;
	[tilespmem:$0x18400] =	vst v63  }
0x227: {  	_ =	swait.ge [sflag:s4], $0x3E80  }
0x228: {  	[sflag:s4] =	ssyncset.done $0x0  }
0x229: {  	[sflag:s4] =	ssyncadd.s32 $0xFFFFC180  }
0x22a: {  	[spmem:s2] =	stream.indirect.scatter.add.f32 [tilespmem:s7], [sflag:$0x1], $0x80, s20, s10, $0xb8;
	[tilespmem:$0x18400] =	vst v63  }
0x22b: {  	_ =	swait.ge [sflag:s4], $0x3E80  }
0x22c: {  	[sflag:s4] =	ssyncset.done $0x0  }
0x22d: {  	[sflag:s4] =	ssyncadd.s32 $0xFFFFC180  }
0x22e: {  	[spmem:s2] =	stream.indirect.scatter.add.f32 [tilespmem:s7], [sflag:$0x1], $0x80, s21, s10, $0xb8;
	[tilespmem:$0x18400] =	vst v63  }
0x22f: {  	_ =	swait.ge [sflag:s4], $0x3E80  }
0x230: {  	[sflag:s4] =	ssyncset.done $0x0  }
0x231: {  	[sflag:s4] =	ssyncadd.s32 $0xFFFFC180  }
0x232: {  	[spmem:s2] =	stream.indirect.scatter.add.f32 [tilespmem:s7], [sflag:$0x1], $0x80, s22, s10, $0xb8;
	[tilespmem:$0x18400] =	vst v63  }
0x233: {  	_ =	swait.ge [sflag:s4], $0x3E80  }
0x234: {  	[sflag:s4] =	ssyncset.done $0x0  }
0x235: {  	[sflag:s4] =	ssyncadd.s32 $0xFFFFC180  }
0x236: {  	[spmem:s2] =	stream.indirect.scatter.add.f32 [tilespmem:s7], [sflag:$0x1], $0x80, s23, s10, $0xb8;
	[tilespmem:$0x18400] =	vst v63  }
0x237: {  	_ =	swait.ge [sflag:s4], $0x3E80  }
0x238: {  	[sflag:s4] =	ssyncset.done $0x0  }
0x239: {  	[sflag:s4] =	ssyncadd.s32 $0xFFFFC180  }
0x23a: {  	[spmem:s2] =	stream.indirect.scatter.add.f32 [tilespmem:s7], [sflag:$0x1], $0x80, s24, s10, $0xb8;
	[tilespmem:$0x18400] =	vst v63  }
0x23b: {  	_ =	swait.ge [sflag:s4], $0x3E80  }
0x23c: {  	[sflag:s4] =	ssyncset.done $0x0  }
0x23d: {  	[sflag:s4] =	ssyncadd.s32 $0xFFFFC180  }
0x23e: {  	[spmem:s2] =	stream.indirect.scatter.add.f32 [tilespmem:s7], [sflag:$0x1], $0x80, s25, s10, $0xb8;
	[tilespmem:$0x18400] =	vst v63  }
0x23f: {  	_ =	swait.ge [sflag:s4], $0x3E80  }
0x240: {  	[sflag:s4] =	ssyncset.done $0x0  }
0x241: {  	[sflag:s4] =	ssyncadd.s32 $0xFFFFC180  }
0x242: {  	[tilespmem:s9], [sflag:$0x1] =	stream.linear.gather [hbm4b:s29+s3], $0x800, $0x38;
	[tilespmem:$0x18400] =	vst v63  }
0x243: {  	_ =	swait.ge [sflag:s4], $0x800  }
0x244: {  	[sflag:s4] =	ssyncset.done $0x0  }
0x245: {  	[sflag:s4] =	ssyncadd.s32 $0xFFFFF800  }
0x246: {  	[spmem:s2] =	stream.indirect.scatter.add.f32 [tilespmem:s7], [sflag:$0x1], $0x80, s9, s10, $0xb8;
	[tilespmem:$0x18400] =	vst v63  }
0x247: {  	_ =	swait.ge [sflag:s4], $0x3E80  }
0x248: {  	[sflag:s4] =	ssyncset.done $0x0  }
0x249: {  	[sflag:s4] =	ssyncadd.s32 $0xFFFFC180  }
0x24a: {  	[spmem:s2] =	stream.indirect.scatter.add.f32 [tilespmem:s7], [sflag:$0x1], $0x80, s11, s10, $0xb8;
	[tilespmem:$0x18400] =	vst v63  }
0x24b: {  	_ =	swait.ge [sflag:s4], $0x3E80  }
0x24c: {  	[sflag:s4] =	ssyncset.done $0x0  }
0x24d: {  	[sflag:s4] =	ssyncadd.s32 $0xFFFFC180  }
0x24e: {  	[spmem:s2] =	stream.indirect.scatter.add.f32 [tilespmem:s7], [sflag:$0x1], $0x80, s12, s10, $0xb8;
	[tilespmem:$0x18400] =	vst v63  }
0x24f: {  	_ =	swait.ge [sflag:s4], $0x3E80  }
0x250: {  	[sflag:s4] =	ssyncset.done $0x0  }
0x251: {  	[sflag:s4] =	ssyncadd.s32 $0xFFFFC180  }
0x252: {  	[spmem:s2] =	stream.indirect.scatter.add.f32 [tilespmem:s7], [sflag:$0x1], $0x80, s13, s10, $0xb8;
	[tilespmem:$0x18400] =	vst v63  }
0x253: {  	_ =	swait.ge [sflag:s4], $0x3E80  }
0x254: {  	[sflag:s4] =	ssyncset.done $0x0  }
0x255: {  	[sflag:s4] =	ssyncadd.s32 $0xFFFFC180  }
0x256: {  	[spmem:s2] =	stream.indirect.scatter.add.f32 [tilespmem:s7], [sflag:$0x1], $0x80, s14, s10, $0xb8;
	[tilespmem:$0x18400] =	vst v63  }
0x257: {  	_ =	swait.ge [sflag:s4], $0x3E80  }
0x258: {  	[sflag:s4] =	ssyncset.done $0x0  }
0x259: {  	[sflag:s4] =	ssyncadd.s32 $0xFFFFC180  }
0x25a: {  	[spmem:s2] =	stream.indirect.scatter.add.f32 [tilespmem:s7], [sflag:$0x1], $0x80, s15, s10, $0xb8;
	[tilespmem:$0x18400] =	vst v63  }
0x25b: {  	_ =	swait.ge [sflag:s4], $0x3E80  }
0x25c: {  	[sflag:s4] =	ssyncset.done $0x0  }
0x25d: {  	[sflag:s4] =	ssyncadd.s32 $0xFFFFC180  }
0x25e: {  	[spmem:s2] =	stream.indirect.scatter.add.f32 [tilespmem:s7], [sflag:$0x1], $0x80, s16, s10, $0xb8;
	[tilespmem:$0x18400] =	vst v63  }
0x25f: {  	_ =	swait.ge [sflag:s4], $0x3E80  }
0x260: {  	[sflag:s4] =	ssyncset.done $0x0  }
0x261: {  	[sflag:s4] =	ssyncadd.s32 $0xFFFFC180  }
0x262: {  	[spmem:s2] =	stream.indirect.scatter.add.f32 [tilespmem:s7], [sflag:$0x1], $0x80, s17, s10, $0xb8;
	[tilespmem:$0x18400] =	vst v63  }
0x263: {  	_ =	swait.ge [sflag:s4], $0x3E80  }
0x264: {  	[sflag:s4] =	ssyncset.done $0x0  }
0x265: {  	[sflag:s4] =	ssyncadd.s32 $0xFFFFC180  }
0x266: {  	[spmem:s2] =	stream.indirect.scatter.add.f32 [tilespmem:s7], [sflag:$0x1], $0x80, s18, s10, $0xb8;
	[tilespmem:$0x18400] =	vst v63  }
0x267: {  	_ =	swait.ge [sflag:s4], $0x3E80  }
0x268: {  	[sflag:s4] =	ssyncset.done $0x0  }
0x269: {  	[sflag:s4] =	ssyncadd.s32 $0xFFFFC180  }
0x26a: {  	[spmem:s2] =	stream.indirect.scatter.add.f32 [tilespmem:s7], [sflag:$0x1], $0x80, s19, s10, $0xb8;
	[tilespmem:$0x18400] =	vst v63  }
0x26b: {  	_ =	swait.ge [sflag:s4], $0x3E80  }
0x26c: {  	[sflag:s4] =	ssyncset.done $0x0  }
0x26d: {  	[sflag:s4] =	ssyncadd.s32 $0xFFFFC180  }
0x26e: {  	[spmem:s2] =	stream.indirect.scatter.add.f32 [tilespmem:s7], [sflag:$0x1], $0x80, s20, s10, $0xb8;
	[tilespmem:$0x18400] =	vst v63  }
0x26f: {  	_ =	swait.ge [sflag:s4], $0x3E80  }
0x270: {  	[sflag:s4] =	ssyncset.done $0x0  }
0x271: {  	[sflag:s4] =	ssyncadd.s32 $0xFFFFC180  }
0x272: {  	[spmem:s2] =	stream.indirect.scatter.add.f32 [tilespmem:s7], [sflag:$0x1], $0x80, s21, s10, $0xb8;
	[tilespmem:$0x18400] =	vst v63  }
0x273: {  	_ =	swait.ge [sflag:s4], $0x3E80  }
0x274: {  	[sflag:s4] =	ssyncset.done $0x0  }
0x275: {  	[sflag:s4] =	ssyncadd.s32 $0xFFFFC180  }
0x276: {  	[spmem:s2] =	stream.indirect.scatter.add.f32 [tilespmem:s7], [sflag:$0x1], $0x80, s22, s10, $0xb8;
	[tilespmem:$0x18400] =	vst v63  }
0x277: {  	_ =	swait.ge [sflag:s4], $0x3E80  }
0x278: {  	[sflag:s4] =	ssyncset.done $0x0  }
0x279: {  	[sflag:s4] =	ssyncadd.s32 $0xFFFFC180  }
0x27a: {  	[spmem:s2] =	stream.indirect.scatter.add.f32 [tilespmem:s7], [sflag:$0x1], $0x80, s23, s10, $0xb8;
	[tilespmem:$0x18400] =	vst v63  }
0x27b: {  	_ =	swait.ge [sflag:s4], $0x3E80  }
0x27c: {  	[sflag:s4] =	ssyncset.done $0x0  }
0x27d: {  	[sflag:s4] =	ssyncadd.s32 $0xFFFFC180  }
0x27e: {  	[spmem:s2] =	stream.indirect.scatter.add.f32 [tilespmem:s7], [sflag:$0x1], $0x80, s24, s10, $0xb8;
	[tilespmem:$0x18400] =	vst v63  }
0x27f: {  	_ =	swait.ge [sflag:s4], $0x3E80  }
0x280: {  	[sflag:s4] =	ssyncset.done $0x0  }
0x281: {  	[sflag:s4] =	ssyncadd.s32 $0xFFFFC180  }
0x282: {  	[spmem:s2] =	stream.indirect.scatter.add.f32 [tilespmem:s7], [sflag:$0x1], $0x80, s25, s10, $0xb8;
	[tilespmem:$0x18400] =	vst v63  }
0x283: {  	_ =	swait.ge [sflag:s4], $0x3E80  }
0x284: {  	[sflag:s4] =	ssyncset.done $0x0  }
0x285: {  	[sflag:s4] =	ssyncadd.s32 $0xFFFFC180  }
0x286: {  	[tilespmem:s9], [sflag:$0x1] =	stream.linear.gather [hbm4b:s30+s3], $0x800, $0x38;
	[tilespmem:$0x18400] =	vst v63  }
0x287: {  	_ =	swait.ge [sflag:s4], $0x800  }
0x288: {  	[sflag:s4] =	ssyncset.done $0x0  }
0x289: {  	[sflag:s4] =	ssyncadd.s32 $0xFFFFF800  }
0x28a: {  	[spmem:s2] =	stream.indirect.scatter.add.f32 [tilespmem:s7], [sflag:$0x1], $0x80, s9, s10, $0xb8;
	[tilespmem:$0x18400] =	vst v63  }
0x28b: {  	_ =	swait.ge [sflag:s4], $0x3E80  }
0x28c: {  	[sflag:s4] =	ssyncset.done $0x0  }
0x28d: {  	[sflag:s4] =	ssyncadd.s32 $0xFFFFC180  }
0x28e: {  	[spmem:s2] =	stream.indirect.scatter.add.f32 [tilespmem:s7], [sflag:$0x1], $0x80, s11, s10, $0xb8;
	[tilespmem:$0x18400] =	vst v63  }
0x28f: {  	_ =	swait.ge [sflag:s4], $0x3E80  }
0x290: {  	[sflag:s4] =	ssyncset.done $0x0  }
0x291: {  	[sflag:s4] =	ssyncadd.s32 $0xFFFFC180  }
0x292: {  	[spmem:s2] =	stream.indirect.scatter.add.f32 [tilespmem:s7], [sflag:$0x1], $0x80, s12, s10, $0xb8;
	[tilespmem:$0x18400] =	vst v63  }
0x293: {  	_ =	swait.ge [sflag:s4], $0x3E80  }
0x294: {  	[sflag:s4] =	ssyncset.done $0x0  }
0x295: {  	[sflag:s4] =	ssyncadd.s32 $0xFFFFC180  }
0x296: {  	[spmem:s2] =	stream.indirect.scatter.add.f32 [tilespmem:s7], [sflag:$0x1], $0x80, s13, s10, $0xb8;
	[tilespmem:$0x18400] =	vst v63  }
0x297: {  	_ =	swait.ge [sflag:s4], $0x3E80  }
0x298: {  	[sflag:s4] =	ssyncset.done $0x0  }
0x299: {  	[sflag:s4] =	ssyncadd.s32 $0xFFFFC180  }
0x29a: {  	[spmem:s2] =	stream.indirect.scatter.add.f32 [tilespmem:s7], [sflag:$0x1], $0x80, s14, s10, $0xb8;
	[tilespmem:$0x18400] =	vst v63  }
0x29b: {  	_ =	swait.ge [sflag:s4], $0x3E80  }
0x29c: {  	[sflag:s4] =	ssyncset.done $0x0  }
0x29d: {  	[sflag:s4] =	ssyncadd.s32 $0xFFFFC180  }
0x29e: {  	[spmem:s2] =	stream.indirect.scatter.add.f32 [tilespmem:s7], [sflag:$0x1], $0x80, s15, s10, $0xb8;
	[tilespmem:$0x18400] =	vst v63  }
0x29f: {  	_ =	swait.ge [sflag:s4], $0x3E80  }
0x2a0: {  	[sflag:s4] =	ssyncset.done $0x0  }
0x2a1: {  	[sflag:s4] =	ssyncadd.s32 $0xFFFFC180  }
0x2a2: {  	[spmem:s2] =	stream.indirect.scatter.add.f32 [tilespmem:s7], [sflag:$0x1], $0x80, s16, s10, $0xb8;
	[tilespmem:$0x18400] =	vst v63  }
0x2a3: {  	_ =	swait.ge [sflag:s4], $0x3E80  }
0x2a4: {  	[sflag:s4] =	ssyncset.done $0x0  }
0x2a5: {  	[sflag:s4] =	ssyncadd.s32 $0xFFFFC180  }
0x2a6: {  	[spmem:s2] =	stream.indirect.scatter.add.f32 [tilespmem:s7], [sflag:$0x1], $0x80, s17, s10, $0xb8;
	[tilespmem:$0x18400] =	vst v63  }
0x2a7: {  	_ =	swait.ge [sflag:s4], $0x3E80  }
0x2a8: {  	[sflag:s4] =	ssyncset.done $0x0  }
0x2a9: {  	[sflag:s4] =	ssyncadd.s32 $0xFFFFC180  }
0x2aa: {  	[spmem:s2] =	stream.indirect.scatter.add.f32 [tilespmem:s7], [sflag:$0x1], $0x80, s18, s10, $0xb8;
	[tilespmem:$0x18400] =	vst v63  }
0x2ab: {  	_ =	swait.ge [sflag:s4], $0x3E80  }
0x2ac: {  	[sflag:s4] =	ssyncset.done $0x0  }
0x2ad: {  	[sflag:s4] =	ssyncadd.s32 $0xFFFFC180  }
0x2ae: {  	[spmem:s2] =	stream.indirect.scatter.add.f32 [tilespmem:s7], [sflag:$0x1], $0x80, s19, s10, $0xb8;
	[tilespmem:$0x18400] =	vst v63  }
0x2af: {  	_ =	swait.ge [sflag:s4], $0x3E80  }
0x2b0: {  	[sflag:s4] =	ssyncset.done $0x0  }
0x2b1: {  	[sflag:s4] =	ssyncadd.s32 $0xFFFFC180  }
0x2b2: {  	[spmem:s2] =	stream.indirect.scatter.add.f32 [tilespmem:s7], [sflag:$0x1], $0x80, s20, s10, $0xb8;
	[tilespmem:$0x18400] =	vst v63  }
0x2b3: {  	_ =	swait.ge [sflag:s4], $0x3E80  }
0x2b4: {  	[sflag:s4] =	ssyncset.done $0x0  }
0x2b5: {  	[sflag:s4] =	ssyncadd.s32 $0xFFFFC180  }
0x2b6: {  	[spmem:s2] =	stream.indirect.scatter.add.f32 [tilespmem:s7], [sflag:$0x1], $0x80, s21, s10, $0xb8;
	[tilespmem:$0x18400] =	vst v63  }
0x2b7: {  	_ =	swait.ge [sflag:s4], $0x3E80  }
0x2b8: {  	[sflag:s4] =	ssyncset.done $0x0  }
0x2b9: {  	[sflag:s4] =	ssyncadd.s32 $0xFFFFC180  }
0x2ba: {  	[spmem:s2] =	stream.indirect.scatter.add.f32 [tilespmem:s7], [sflag:$0x1], $0x80, s22, s10, $0xb8;
	[tilespmem:$0x18400] =	vst v63  }
0x2bb: {  	_ =	swait.ge [sflag:s4], $0x3E80  }
0x2bc: {  	[sflag:s4] =	ssyncset.done $0x0  }
0x2bd: {  	[sflag:s4] =	ssyncadd.s32 $0xFFFFC180  }
0x2be: {  	[spmem:s2] =	stream.indirect.scatter.add.f32 [tilespmem:s7], [sflag:$0x1], $0x80, s23, s10, $0xb8;
	[tilespmem:$0x18400] =	vst v63  }
0x2bf: {  	_ =	swait.ge [sflag:s4], $0x3E80  }
0x2c0: {  	[sflag:s4] =	ssyncset.done $0x0  }
0x2c1: {  	[sflag:s4] =	ssyncadd.s32 $0xFFFFC180  }
0x2c2: {  	[spmem:s2] =	stream.indirect.scatter.add.f32 [tilespmem:s7], [sflag:$0x1], $0x80, s24, s10, $0xb8;
	[tilespmem:$0x18400] =	vst v63  }
0x2c3: {  	_ =	swait.ge [sflag:s4], $0x3E80  }
0x2c4: {  	[sflag:s4] =	ssyncset.done $0x0  }
0x2c5: {  	[sflag:s4] =	ssyncadd.s32 $0xFFFFC180  }
0x2c6: {  	[spmem:s2] =	stream.indirect.scatter.add.f32 [tilespmem:s7], [sflag:$0x1], $0x80, s25, s10, $0xb8;
	[tilespmem:$0x18400] =	vst v63  }
0x2c7: {  	p0 =	sne.s32 s0, $0x1;
	_ =	swait.ge [sflag:s4], $0x3E80  }
.Ltmp1:
0x2c8: {  	[sflag:s4] =	ssyncset.done $0x0;
	(pc) =	sbr.rel @p0 .LBB2_1-.Ltmp1, $4  }
0x2c9: {  	[sflag:s4] =	ssyncadd.s32 $0xFFFFC180  }
0x2ca: {  	[bflag:$0x0] =	sbarrier.arrive $0xFFFF  }
0x2cb: {  	[hbm:s31], [sflag:s5] =	dma.local [spmem:s6], $0x2780  }
0x2cc: {  	s0 =	sadd.s32 $0xFFFFFFFF, s0;
	_ =	swait.ge [sflag:s4], $0x2780  }
.LBB2_2:
0x2cd: {  	[sflag:s4] =	ssyncset.done $0x0  }
0x2ce: {  	[sflag:s4] =	ssyncadd.s32 $0xFFFFD880  }
0x2cf: {  	_ =	sfence.sel $0x180000  }
0x2d0: {  	[bflag:$0x0] =	sbarrier.arrive $0xFFFF  }
0x2d1: {  	_ =	strace $0x90000047  }
0x2d2: {  	s0 =	stileid.u32;
	[bflag:$0x2] =	sbarrier.arrive $0xFFFF  }
0x2d3: {  	p0 =	sne.s32 s0, $0x0;
	s0 =	rddreg [dreg:$0x5]  }
0x2d4: {  	s0 =	sadd.s32 @!p0 $0x100000, s0  }
0x2d5: {  	[sflag:s0] =	ssyncadd.tile.s32 @!p0 $0x1;
	_ =	shalt  }
.Lfunc_end2:
_tile_overlayer_lowered:
.L_overlay_start_2:
0x2d6: {  	(tag) =	ssettag $0x2  }
0x2d7: {  	s0 =	rddreg [dreg:$0x0];
	s2 =	stileid.u32  }
0x2d8: {  	s1 =	rddreg [dreg:$0x1];
	p0 =	sne.s32 s2, $0x0  }
0x2d9: {  	s3 =	rddreg [dreg:$0x2];
	[bflag:$0x3] =	sbarrier.arrive $0xFFFF;
	s2 =	simm.s32 @!p0 $0x1C01  }
0x2da: {  	[timem:s3], [sflag:s2] =	dma.local @!p0 [hbm:s0], s1  }
0x2db: {  	s0 =	simm.s32 @!p0 $0x1  }
0x2dc: {  	_ =	swait.ge @!p0 [sflag:s0], s1  }
0x2dd: {  	s1 =	ssub.s32 @!p0 $0x0, s1;
	[sflag:s0] =	ssyncset.done @!p0 $0x0  }
0x2de: {  	[sflag:s0] =	ssyncadd.s32 @!p0 s1  }
0x2df: {  	[bflag:$0x3] =	sbarrier.arrive $0xFFFF  }
0x2e0: {  	_ =	shalt  }

</sc_bundles>
